<compile_context>
chip_gen: v7x
topology: tpu7x:2x2x1
jax: 0.10.2.dev20260603
libtpu: 0.0.44.dev20260713+nightly
codegen_flags: <defaults>
</compile_context>

<pallas_src>
import functools

import jax
import jax.numpy as jnp
from jax import lax
from jax.experimental import pallas as pl
from jax.experimental.pallas import tpu as pltpu
from jax.experimental.pallas import tpu_sc as plsc

_N = 8192
_XD = 2048
_CD = 128
_HD = 64
_E = 64
_TN = 512
_GRID = _N // _TN
_LOSS_COEF = 1e-2

_NW = 32
_TPW = _N // _NW
_L = 16


def _body(xa_ref, xb_ref, c_ref,
          ew0, eb0, ew1, eb1, ew2, eb2,
          dw0, db0, dw1, db1, dw2, db2,
          wg, w1cat, b1cat, w2v, eb2x, eio_ref, expand_ref,
          w_ref, prob_ref, z_ref, xhat_ref, gates_ref):
    f32 = jnp.float32
    bf16 = jnp.bfloat16

    h0_t = (lax.dot_general(ew0[0:_XD // 2, :], xa_ref[...],
                            dimension_numbers=(((0,), (1,)), ((), ())),
                            preferred_element_type=f32) +
            lax.dot_general(ew0[_XD // 2:_XD, :], xb_ref[...],
                            dimension_numbers=(((0,), (1,)), ((), ())),
                            preferred_element_type=f32))
    h = jax.nn.relu(h0_t.T + eb0[...])
    h = jax.nn.relu(jnp.dot(h, ew1[...], preferred_element_type=f32) + eb1[...])
    z = jnp.dot(h, ew2[...], preferred_element_type=f32) + eb2[...]
    z_ref[...] = z

    h = jax.nn.relu(jnp.dot(z, dw0[...], preferred_element_type=f32) + db0[...])
    h = jax.nn.relu(jnp.dot(h, dw1[...], preferred_element_type=f32) + db1[...])
    xhat_ref[...] = (jnp.dot(h.astype(bf16), dw2[...],
                             preferred_element_type=f32) + db2[...])

    logits = jnp.dot(z, wg[...], preferred_element_type=f32)
    eio = eio_ref[...]
    m1 = jnp.max(logits, axis=1, keepdims=True)
    i1 = jnp.min(jnp.where(logits == m1, eio, _E), axis=1, keepdims=True)
    masked = jnp.where(eio == i1, -jnp.inf, logits)
    m2 = jnp.max(masked, axis=1, keepdims=True)
    i2 = jnp.min(jnp.where(masked == m2, eio, _E), axis=1, keepdims=True)
    e2 = jnp.exp(m2 - m1)
    denom = 1.0 + e2
    g1 = 1.0 / denom
    g2 = e2 / denom
    gates = jnp.where(eio == i1, g1, 0.0) + jnp.where(eio == i2, g2, 0.0)
    gates_ref[...] = gates

    hh = jax.nn.relu(jnp.dot(z.astype(bf16), w1cat[...],
                             preferred_element_type=f32) +
                     b1cat[...].astype(f32)).astype(bf16)
    gx = jnp.dot(gates.astype(bf16), expand_ref[...],
                 preferred_element_type=f32).astype(bf16)
    wout = (jnp.dot(hh * gx, w2v[...], preferred_element_type=f32) +
            jnp.dot(gates, eb2x[...], preferred_element_type=f32))
    w_ref[...] = wout

    score = jnp.sum(c_ref[...] * wout, axis=1, keepdims=True)
    prob_ref[...] = 1.0 / (1.0 + jnp.exp(-score))


def _fused(x, c, enc_W0, enc_b0, enc_W1, enc_b1, enc_W2, enc_b2,
           dec_W0, dec_b0, dec_W1, dec_b1, dec_W2b, dec_b2,
           w_gate, w1cat, b1cat, w2v, e_b2, eio, expand):
    full = lambda shp: pl.BlockSpec(shp, lambda i: (0, 0))
    tok = lambda d: pl.BlockSpec((_TN, d), lambda i: (i, 0))
    row = lambda b: b.reshape(1, -1)

    return pl.pallas_call(
        _body,
        grid=(_GRID,),
        in_specs=[
            pl.BlockSpec((_TN, _XD // 2), lambda i: (i, 0)),
            pl.BlockSpec((_TN, _XD // 2), lambda i: (i, 1)),
            tok(_CD),
            full((_XD, _HD)), full((1, _HD)), full((_HD, _HD)), full((1, _HD)),
            full((_HD, _HD)), full((1, _HD)),
            full((_HD, _HD)), full((1, _HD)), full((_HD, _HD)), full((1, _HD)),
            full((_HD, _XD)), full((1, _XD)),
            full((_HD, _E)), full((_HD, _E * _HD)), full((1, _E * _HD)),
            full((_E * _HD, _CD)), full((_E, _CD)),
            full((1, _E)), full((_E, _E * _HD)),
        ],
        out_specs=(
            tok(_CD), tok(1), tok(_HD), tok(_XD), tok(_E),
        ),
        out_shape=(
            jax.ShapeDtypeStruct((_N, _CD), jnp.float32),
            jax.ShapeDtypeStruct((_N, 1), jnp.float32),
            jax.ShapeDtypeStruct((_N, _HD), jnp.float32),
            jax.ShapeDtypeStruct((_N, _XD), jnp.float32),
            jax.ShapeDtypeStruct((_N, _E), jnp.float32),
        ),
        compiler_params=pltpu.CompilerParams(
            dimension_semantics=("arbitrary",)),
    )(x, x, c, enc_W0, row(enc_b0), enc_W1, row(enc_b1), enc_W2, row(enc_b2),
      dec_W0, row(dec_b0), dec_W1, row(dec_b1), dec_W2b, row(dec_b2),
      w_gate, w1cat, b1cat, w2v, e_b2, eio, expand)


def _stats_sc_body(gates_hbm, part_hbm, g_v, p_v):
    f32 = jnp.float32
    wid = lax.axis_index("s") * 2 + lax.axis_index("c")
    base = wid * _TPW
    pltpu.sync_copy(gates_hbm.at[pl.ds(base, _TPW), :], g_v)

    zero = jnp.zeros((_L,), f32)
    one = jnp.ones((_L,), f32)

    def _row(r, acc):
        out = list(acc)
        for u in range(2):
            for cc in range(_E // _L):
                g = g_v[r * 2 + u, pl.ds(cc * _L, _L)]
                out[cc] = out[cc] + g
                out[_E // _L + cc] = (out[_E // _L + cc] +
                                      jnp.where(g > 0.0, one, zero))
        return tuple(out)

    acc = lax.fori_loop(0, _TPW // 2, _row, tuple([zero] * (2 * _E // _L)))
    for cc in range(_E // _L):
        p_v[0, pl.ds(cc * _L, _L)] = acc[cc]
        p_v[1, pl.ds(cc * _L, _L)] = acc[_E // _L + cc]

    pltpu.sync_copy(p_v, part_hbm.at[wid])


def _stats(gates):
    mesh = plsc.VectorSubcoreMesh(core_axis_name="c", subcore_axis_name="s")
    k = functools.partial(
        pl.kernel,
        mesh=mesh,
        out_type=jax.ShapeDtypeStruct((_NW, 2, _E), jnp.float32),
        scratch_types=[
            pltpu.VMEM((_TPW, _E), jnp.float32),
            pltpu.VMEM((2, _E), jnp.float32),
        ],
    )(_stats_sc_body)
    return k(gates)


def _loss_body(part_ref, loss_ref):
    imp = jnp.sum(part_ref[:, 0, :], axis=0, keepdims=True)
    ld = jnp.sum(part_ref[:, 1, :], axis=0, keepdims=True)

    def cv2(v):
        mean = jnp.sum(v) / _E
        var = jnp.sum((v - mean) ** 2) / (_E - 1)
        return var / (mean * mean + 1e-10)

    loss_ref[0, 0] = (cv2(imp) + cv2(ld)) * _LOSS_COEF


def _loss(parts):
    return pl.pallas_call(
        _loss_body,
        out_specs=pl.BlockSpec(memory_space=pltpu.SMEM),
        out_shape=jax.ShapeDtypeStruct((1, 1), jnp.float32),
    )(parts)


def kernel(x, c, enc_W0, enc_b0, enc_W1, enc_b1, enc_W2, enc_b2,
           dec_W0, dec_b0, dec_W1, dec_b1, dec_W2, dec_b2,
           w_gate, e_W1, e_b1, e_W2, e_b2):
    bf16 = jnp.bfloat16
    w1cat = jnp.transpose(e_W1, (1, 0, 2)).reshape(_HD, _E * _HD).astype(bf16)
    b1cat = e_b1.reshape(1, _E * _HD).astype(bf16)
    w2v = e_W2.reshape(_E * _HD, _CD).astype(bf16)
    expand = jnp.kron(jnp.eye(_E, dtype=bf16), jnp.ones((1, _HD), dtype=bf16))
    eio = jnp.arange(_E, dtype=jnp.int32).reshape(1, _E)

    w, prob, z, xhat, gates = _fused(
        x, c, enc_W0, enc_b0, enc_W1, enc_b1, enc_W2, enc_b2,
        dec_W0, dec_b0, dec_W1, dec_b1, dec_W2.astype(bf16), dec_b2,
        w_gate, w1cat, b1cat, w2v, e_b2, eio, expand)
    parts = _stats(gates)
    loss = _loss(parts)
    return (w, prob, z, xhat, loss.reshape(()), gates)

# --- scband reference (transcript-rebuilt; emitter-appended) ---
"""Pipeline reference for scband-i-transplant-3865470566864 (READ-ONLY COPY).

The authoritative reference and input builder live on the scoring server;
editing this copy changes nothing except your own understanding.
"""

import jax, jax.numpy as jnp
import numpy as np

N = 8192          # tokens (LANG_PROMPT batch=4 x seq_len=2048)
X_DIM = 2048
C_DIM = 128
H_DIM = 64
E = 64
K = 2
THRESHOLD = 0.0
LOSS_COEF = 1e-2


def _mlp(h, Ws, bs):
    for i in range(len(Ws)):
        h = h @ Ws[i] + bs[i]
        if i < len(Ws) - 1:
            h = jax.nn.relu(h)
    return h


def _cv_squared(v):
    eps = 1e-10
    return jnp.var(v, ddof=1) / (jnp.mean(v) ** 2 + eps)


def setup_inputs(seed: int = 0):
    key = jax.random.key(seed)
    ks = jax.random.split(key, 12)
    s = 0.02
    return {
        'x': jax.random.normal(ks[0], (N, X_DIM), dtype=jnp.float32),
        'c': jax.random.normal(ks[1], (N, C_DIM), dtype=jnp.float32),
        'enc_W0': s * jax.random.normal(ks[2], (X_DIM, H_DIM), dtype=jnp.float32),
        'enc_b0': jnp.zeros((H_DIM,), dtype=jnp.float32),
        'enc_W1': s * jax.random.normal(ks[3], (H_DIM, H_DIM), dtype=jnp.float32),
        'enc_b1': jnp.zeros((H_DIM,), dtype=jnp.float32),
        'enc_W2': s * jax.random.normal(ks[4], (H_DIM, H_DIM), dtype=jnp.float32),
        'enc_b2': jnp.zeros((H_DIM,), dtype=jnp.float32),
        'dec_W0': s * jax.random.normal(ks[5], (H_DIM, H_DIM), dtype=jnp.float32),
        'dec_b0': jnp.zeros((H_DIM,), dtype=jnp.float32),
        'dec_W1': s * jax.random.normal(ks[6], (H_DIM, H_DIM), dtype=jnp.float32),
        'dec_b1': jnp.zeros((H_DIM,), dtype=jnp.float32),
        'dec_W2': s * jax.random.normal(ks[7], (H_DIM, X_DIM), dtype=jnp.float32),
        'dec_b2': jnp.zeros((X_DIM,), dtype=jnp.float32),
        'w_gate': s * jax.random.normal(ks[8], (H_DIM, E), dtype=jnp.float32),
        'e_W1': s * jax.random.normal(ks[9], (E, H_DIM, H_DIM), dtype=jnp.float32),
        'e_b1': jnp.zeros((E, H_DIM), dtype=jnp.float32),
        'e_W2': s * jax.random.normal(ks[10], (E, H_DIM, C_DIM), dtype=jnp.float32),
        'e_b2': jnp.zeros((E, C_DIM), dtype=jnp.float32),
    }


def reference(x, c, enc_W0, enc_b0, enc_W1, enc_b1, enc_W2, enc_b2,
              dec_W0, dec_b0, dec_W1, dec_b1, dec_W2, dec_b2,
              w_gate, e_W1, e_b1, e_W2, e_b2):
    # encoder / decoder MLPs
    Z = _mlp(x, [enc_W0, enc_W1, enc_W2], [enc_b0, enc_b1, enc_b2])
    X_hat = _mlp(Z, [dec_W0, dec_W1, dec_W2], [dec_b0, dec_b1, dec_b2])
    # noisy top-k gating, eval mode (train=False -> no noise)
    clean_logits = Z @ w_gate
    top_logits, top_idx = jax.lax.top_k(clean_logits, min(K + 1, E))
    top_k_gates = jax.nn.softmax(top_logits[:, :K], axis=1)
    rows = jnp.arange(Z.shape[0])[:, None]
    gates = jnp.zeros((Z.shape[0], E), dtype=Z.dtype).at[rows, top_idx[:, :K]].set(top_k_gates)
    importance = jnp.sum(gates, axis=0)
    load = jnp.sum((gates > 0).astype(jnp.float32), axis=0)
    moe_loss = (_cv_squared(importance) + _cv_squared(load)) * LOSS_COEF
    # expert computation (dense equivalent of sparse token dispatch/combine)
    expert_h = jax.nn.relu(jnp.einsum('nh,ehf->enf', Z, e_W1) + e_b1[:, None, :])
    expert_out = jnp.einsum('enf,efc->enc', expert_h, e_W2) + e_b2[:, None, :]
    w = jnp.einsum('ne,enc->nc', gates, expert_out)
    # eval-mode thresholding mask (threshold=0 -> all pass, kept for fidelity)
    mask = (jnp.abs(w) >= THRESHOLD * jnp.linalg.norm(w, axis=1, keepdims=True)).astype(w.dtype)
    w = w * mask
    score = jnp.sum(c * w, axis=-1, keepdims=True)
    prob = jax.nn.sigmoid(score)
    return (w, prob, Z, X_hat, moe_loss, gates)

if __name__ == "__main__":
    import jax
    _d = setup_inputs()
    print(jax.jit(kernel)(*tuple(_d.values())))

</pallas_src>

<mosaic_0001>
#map = affine_map<(d0, d1) -> (0, 0)>
#map1 = affine_map<(d0, d1) -> (0, 0, 0)>
module attributes {stable_mosaic.version = 14 : i64} {
  func.func @_stats_sc_body(%arg0: i32, %arg1: i32, %arg2: memref<8192x64xf32, #tpu.memory_space<hbm>>, %arg3: memref<32x2x64xf32, #tpu.memory_space<hbm>>, %arg4: memref<256x64xf32, #tpu.memory_space<vmem>>, %arg5: memref<2x64xf32, #tpu.memory_space<vmem>>) attributes {dimension_semantics = [#tpu.dimension_semantics<core_parallel>, #tpu.dimension_semantics<subcore_parallel>], iteration_bounds = array<i64: 2, 16>, scalar_prefetch = 0 : i64, scratch_operands = 2 : i64, tpu.core_type = #tpu.core_type<sc_vector_subcore>, window_params = [{transform_indices = #map}, {transform_indices = #map1}]} {
    %mul3A = arith.constant 2 : i32
    %mul3A_0 = arith.muli %arg1, %mul3A : i32
    %add3A = arith.addi %mul3A_0, %arg0 : i32
    %mul3A_1 = arith.constant 256 : i32
    %mul3A_2 = arith.muli %add3A, %mul3A_1 : i32
    "tpu.region"() ({
      %run_scoped3A = tpu.sem_alloc : memref<!tpu.dma_semaphore, #tpu.memory_space<semaphore_mem>>
      %dma_start3A = arith.constant 0 : i32
      %dma_start3A_58 = tpu.memref_slice %arg2[%mul3A_2, %dma_start3A] : memref<8192x64xf32, #tpu.memory_space<hbm>> -> memref<256x64xf32, #tpu.memory_space<hbm>>
      %dma_start3A_59 = arith.constant 0 : i32
      %dma_start3A_60 = tpu.memref_slice %arg2[%mul3A_2, %dma_start3A_59] : memref<8192x64xf32, #tpu.memory_space<hbm>> -> memref<256x64xf32, #tpu.memory_space<hbm>>
      tpu.enqueue_dma source(%dma_start3A_60 : memref<256x64xf32, #tpu.memory_space<hbm>>) target(%arg4 : memref<256x64xf32, #tpu.memory_space<vmem>>) target_semaphore(%run_scoped3A : memref<!tpu.dma_semaphore, #tpu.memory_space<semaphore_mem>>)
      %dma_wait3A = arith.constant 0 : i32
      %dma_wait3A_61 = tpu.memref_slice %arg2[%mul3A_2, %dma_wait3A] : memref<8192x64xf32, #tpu.memory_space<hbm>> -> memref<256x64xf32, #tpu.memory_space<hbm>>
      %dma_wait3A_62 = arith.constant 0 : i32
      %dma_wait3A_63 = tpu.memref_slice %arg2[%mul3A_2, %dma_wait3A_62] : memref<8192x64xf32, #tpu.memory_space<hbm>> -> memref<256x64xf32, #tpu.memory_space<hbm>>
      tpu.wait_dma2 semaphore(%run_scoped3A : memref<!tpu.dma_semaphore, #tpu.memory_space<semaphore_mem>>) src(%dma_wait3A_63 : memref<256x64xf32, #tpu.memory_space<hbm>>) dst(%arg4 : memref<256x64xf32, #tpu.memory_space<vmem>>)
      tpu.yield
    }) : () -> ()
    %broadcast_in_dim3A = arith.constant 0.000000e+00 : f32
    %broadcast_in_dim3A_3 = vector.broadcast %broadcast_in_dim3A : f32 to vector<16xf32>
    %broadcast_in_dim3A_4 = arith.constant 1.000000e+00 : f32
    %broadcast_in_dim3A_5 = vector.broadcast %broadcast_in_dim3A_4 : f32 to vector<16xf32>
    %scan3A = arith.constant 0 : i32
    %scan3A_6 = arith.constant 128 : i32
    %scan3A_7 = arith.addi %scan3A, %scan3A_6 : i32
    %scan3A_8 = arith.constant 1 : i32
    %scan3A_9:8 = scf.for %scan3A_58 = %scan3A to %scan3A_7 step %scan3A_8 iter_args(%scan3A_59 = %broadcast_in_dim3A_3, %scan3A_60 = %broadcast_in_dim3A_3, %scan3A_61 = %broadcast_in_dim3A_3, %scan3A_62 = %broadcast_in_dim3A_3, %scan3A_63 = %broadcast_in_dim3A_3, %scan3A_64 = %broadcast_in_dim3A_3, %scan3A_65 = %broadcast_in_dim3A_3, %scan3A_66 = %broadcast_in_dim3A_3) -> (vector<16xf32>, vector<16xf32>, vector<16xf32>, vector<16xf32>, vector<16xf32>, vector<16xf32>, vector<16xf32>, vector<16xf32>)  : i32 {
      %mul3A_67 = arith.constant 2 : i32
      %mul3A_68 = arith.muli %scan3A_58, %mul3A_67 : i32
      %add3A_69 = arith.constant 0 : i32
      %add3A_70 = arith.addi %mul3A_68, %add3A_69 : i32
      %get3A = arith.index_cast %add3A_70 : i32 to index
      %get3A_71 = arith.constant 0 : index
      %get3A_72 = tpu.vector_load %arg4[%get3A, %get3A_71] {strides = array<i32>} : memref<256x64xf32, #tpu.memory_space<vmem>>, vector<1x16xf32>,
      %get3A_73 = vector.shape_cast %get3A_72 : vector<1x16xf32> to vector<16xf32>
      %add3A_74 = arith.addf %scan3A_59, %get3A_73 : vector<16xf32>
      %gt3A = arith.constant 0.000000e+00 : f32
      %gt3A_75 = vector.broadcast %gt3A : f32 to vector<16xf32>
      %gt3A_76 = arith.cmpf ogt, %get3A_73, %gt3A_75 : vector<16xf32>
      %select_n3A = arith.select %gt3A_76, %broadcast_in_dim3A_5, %broadcast_in_dim3A_3 : vector<16xi1>, vector<16xf32>
      %add3A_77 = arith.addf %scan3A_63, %select_n3A : vector<16xf32>
      %mul3A_78 = arith.constant 2 : i32
      %mul3A_79 = arith.muli %scan3A_58, %mul3A_78 : i32
      %add3A_80 = arith.constant 0 : i32
      %add3A_81 = arith.addi %mul3A_79, %add3A_80 : i32
      %get3A_82 = arith.index_cast %add3A_81 : i32 to index
      %get3A_83 = arith.constant 16 : index
      %get3A_84 = tpu.vector_load %arg4[%get3A_82, %get3A_83] {strides = array<i32>} : memref<256x64xf32, #tpu.memory_space<vmem>>, vector<1x16xf32>,
      %get3A_85 = vector.shape_cast %get3A_84 : vector<1x16xf32> to vector<16xf32>
      %add3A_86 = arith.addf %scan3A_60, %get3A_85 : vector<16xf32>
      %gt3A_87 = arith.constant 0.000000e+00 : f32
      %gt3A_88 = vector.broadcast %gt3A_87 : f32 to vector<16xf32>
      %gt3A_89 = arith.cmpf ogt, %get3A_85, %gt3A_88 : vector<16xf32>
      %select_n3A_90 = arith.select %gt3A_89, %broadcast_in_dim3A_5, %broadcast_in_dim3A_3 : vector<16xi1>, vector<16xf32>
      %add3A_91 = arith.addf %scan3A_64, %select_n3A_90 : vector<16xf32>
      %mul3A_92 = arith.constant 2 : i32
      %mul3A_93 = arith.muli %scan3A_58, %mul3A_92 : i32
      %add3A_94 = arith.constant 0 : i32
      %add3A_95 = arith.addi %mul3A_93, %add3A_94 : i32
      %get3A_96 = arith.index_cast %add3A_95 : i32 to index
      %get3A_97 = arith.constant 32 : index
      %get3A_98 = tpu.vector_load %arg4[%get3A_96, %get3A_97] {strides = array<i32>} : memref<256x64xf32, #tpu.memory_space<vmem>>, vector<1x16xf32>,
      %get3A_99 = vector.shape_cast %get3A_98 : vector<1x16xf32> to vector<16xf32>
      %add3A_100 = arith.addf %scan3A_61, %get3A_99 : vector<16xf32>
      %gt3A_101 = arith.constant 0.000000e+00 : f32
      %gt3A_102 = vector.broadcast %gt3A_101 : f32 to vector<16xf32>
      %gt3A_103 = arith.cmpf ogt, %get3A_99, %gt3A_102 : vector<16xf32>
      %select_n3A_104 = arith.select %gt3A_103, %broadcast_in_dim3A_5, %broadcast_in_dim3A_3 : vector<16xi1>, vector<16xf32>
      %add3A_105 = arith.addf %scan3A_65, %select_n3A_104 : vector<16xf32>
      %mul3A_106 = arith.constant 2 : i32
      %mul3A_107 = arith.muli %scan3A_58, %mul3A_106 : i32
      %add3A_108 = arith.constant 0 : i32
      %add3A_109 = arith.addi %mul3A_107, %add3A_108 : i32
      %get3A_110 = arith.index_cast %add3A_109 : i32 to index
      %get3A_111 = arith.constant 48 : index
      %get3A_112 = tpu.vector_load %arg4[%get3A_110, %get3A_111] {strides = array<i32>} : memref<256x64xf32, #tpu.memory_space<vmem>>, vector<1x16xf32>,
      %get3A_113 = vector.shape_cast %get3A_112 : vector<1x16xf32> to vector<16xf32>
      %add3A_114 = arith.addf %scan3A_62, %get3A_113 : vector<16xf32>
      %gt3A_115 = arith.constant 0.000000e+00 : f32
      %gt3A_116 = vector.broadcast %gt3A_115 : f32 to vector<16xf32>
      %gt3A_117 = arith.cmpf ogt, %get3A_113, %gt3A_116 : vector<16xf32>
      %select_n3A_118 = arith.select %gt3A_117, %broadcast_in_dim3A_5, %broadcast_in_dim3A_3 : vector<16xi1>, vector<16xf32>
      %add3A_119 = arith.addf %scan3A_66, %select_n3A_118 : vector<16xf32>
      %mul3A_120 = arith.constant 2 : i32
      %mul3A_121 = arith.muli %scan3A_58, %mul3A_120 : i32
      %add3A_122 = arith.constant 1 : i32
      %add3A_123 = arith.addi %mul3A_121, %add3A_122 : i32
      %get3A_124 = arith.index_cast %add3A_123 : i32 to index
      %get3A_125 = arith.constant 0 : index
      %get3A_126 = tpu.vector_load %arg4[%get3A_124, %get3A_125] {strides = array<i32>} : memref<256x64xf32, #tpu.memory_space<vmem>>, vector<1x16xf32>,
      %get3A_127 = vector.shape_cast %get3A_126 : vector<1x16xf32> to vector<16xf32>
      %add3A_128 = arith.addf %add3A_74, %get3A_127 : vector<16xf32>
      %gt3A_129 = arith.constant 0.000000e+00 : f32
      %gt3A_130 = vector.broadcast %gt3A_129 : f32 to vector<16xf32>
      %gt3A_131 = arith.cmpf ogt, %get3A_127, %gt3A_130 : vector<16xf32>
      %select_n3A_132 = arith.select %gt3A_131, %broadcast_in_dim3A_5, %broadcast_in_dim3A_3 : vector<16xi1>, vector<16xf32>
      %add3A_133 = arith.addf %add3A_77, %select_n3A_132 : vector<16xf32>
      %mul3A_134 = arith.constant 2 : i32
      %mul3A_135 = arith.muli %scan3A_58, %mul3A_134 : i32
      %add3A_136 = arith.constant 1 : i32
      %add3A_137 = arith.addi %mul3A_135, %add3A_136 : i32
      %get3A_138 = arith.index_cast %add3A_137 : i32 to index
      %get3A_139 = arith.constant 16 : index
      %get3A_140 = tpu.vector_load %arg4[%get3A_138, %get3A_139] {strides = array<i32>} : memref<256x64xf32, #tpu.memory_space<vmem>>, vector<1x16xf32>,
      %get3A_141 = vector.shape_cast %get3A_140 : vector<1x16xf32> to vector<16xf32>
      %add3A_142 = arith.addf %add3A_86, %get3A_141 : vector<16xf32>
      %gt3A_143 = arith.constant 0.000000e+00 : f32
      %gt3A_144 = vector.broadcast %gt3A_143 : f32 to vector<16xf32>
      %gt3A_145 = arith.cmpf ogt, %get3A_141, %gt3A_144 : vector<16xf32>
      %select_n3A_146 = arith.select %gt3A_145, %broadcast_in_dim3A_5, %broadcast_in_dim3A_3 : vector<16xi1>, vector<16xf32>
      %add3A_147 = arith.addf %add3A_91, %select_n3A_146 : vector<16xf32>
      %mul3A_148 = arith.constant 2 : i32
      %mul3A_149 = arith.muli %scan3A_58, %mul3A_148 : i32
      %add3A_150 = arith.constant 1 : i32
      %add3A_151 = arith.addi %mul3A_149, %add3A_150 : i32
      %get3A_152 = arith.index_cast %add3A_151 : i32 to index
      %get3A_153 = arith.constant 32 : index
      %get3A_154 = tpu.vector_load %arg4[%get3A_152, %get3A_153] {strides = array<i32>} : memref<256x64xf32, #tpu.memory_space<vmem>>, vector<1x16xf32>,
      %get3A_155 = vector.shape_cast %get3A_154 : vector<1x16xf32> to vector<16xf32>
      %add3A_156 = arith.addf %add3A_100, %get3A_155 : vector<16xf32>
      %gt3A_157 = arith.constant 0.000000e+00 : f32
      %gt3A_158 = vector.broadcast %gt3A_157 : f32 to vector<16xf32>
      %gt3A_159 = arith.cmpf ogt, %get3A_155, %gt3A_158 : vector<16xf32>
      %select_n3A_160 = arith.select %gt3A_159, %broadcast_in_dim3A_5, %broadcast_in_dim3A_3 : vector<16xi1>, vector<16xf32>
      %add3A_161 = arith.addf %add3A_105, %select_n3A_160 : vector<16xf32>
      %mul3A_162 = arith.constant 2 : i32
      %mul3A_163 = arith.muli %scan3A_58, %mul3A_162 : i32
      %add3A_164 = arith.constant 1 : i32
      %add3A_165 = arith.addi %mul3A_163, %add3A_164 : i32
      %get3A_166 = arith.index_cast %add3A_165 : i32 to index
      %get3A_167 = arith.constant 48 : index
      %get3A_168 = tpu.vector_load %arg4[%get3A_166, %get3A_167] {strides = array<i32>} : memref<256x64xf32, #tpu.memory_space<vmem>>, vector<1x16xf32>,
      %get3A_169 = vector.shape_cast %get3A_168 : vector<1x16xf32> to vector<16xf32>
      %add3A_170 = arith.addf %add3A_114, %get3A_169 : vector<16xf32>
      %gt3A_171 = arith.constant 0.000000e+00 : f32
      %gt3A_172 = vector.broadcast %gt3A_171 : f32 to vector<16xf32>
      %gt3A_173 = arith.cmpf ogt, %get3A_169, %gt3A_172 : vector<16xf32>
      %select_n3A_174 = arith.select %gt3A_173, %broadcast_in_dim3A_5, %broadcast_in_dim3A_3 : vector<16xi1>, vector<16xf32>
      %add3A_175 = arith.addf %add3A_119, %select_n3A_174 : vector<16xf32>
      scf.yield %add3A_128, %add3A_142, %add3A_156, %add3A_170, %add3A_133, %add3A_147, %add3A_161, %add3A_175 : vector<16xf32>, vector<16xf32>, vector<16xf32>, vector<16xf32>, vector<16xf32>, vector<16xf32>, vector<16xf32>, vector<16xf32>
    }
    %scan3A_10 = arith.constant 128 : i32
    %swap3A = arith.constant 0 : i32
    %swap3A_11 = arith.index_cast %swap3A : i32 to index
    %swap3A_12 = arith.constant 0 : index
    %swap3A_13 = tpu.vector_load %arg5[%swap3A_11, %swap3A_12] {strides = array<i32>} : memref<2x64xf32, #tpu.memory_space<vmem>>, vector<1x16xf32>,
    %swap3A_14 = vector.shape_cast %swap3A_13 : vector<1x16xf32> to vector<16xf32>
    %swap3A_15 = vector.shape_cast %scan3A_9#0 : vector<16xf32> to vector<1x16xf32>
    tpu.vector_store %arg5[%swap3A_11, %swap3A_12], %swap3A_15 {strides = array<i32>} : memref<2x64xf32, #tpu.memory_space<vmem>>, vector<1x16xf32>,
    %swap3A_16 = arith.constant 1 : i32
    %swap3A_17 = arith.index_cast %swap3A_16 : i32 to index
    %swap3A_18 = arith.constant 0 : index
    %swap3A_19 = tpu.vector_load %arg5[%swap3A_17, %swap3A_18] {strides = array<i32>} : memref<2x64xf32, #tpu.memory_space<vmem>>, vector<1x16xf32>,
    %swap3A_20 = vector.shape_cast %swap3A_19 : vector<1x16xf32> to vector<16xf32>
    %swap3A_21 = vector.shape_cast %scan3A_9#4 : vector<16xf32> to vector<1x16xf32>
    tpu.vector_store %arg5[%swap3A_17, %swap3A_18], %swap3A_21 {strides = array<i32>} : memref<2x64xf32, #tpu.memory_space<vmem>>, vector<1x16xf32>,
    %swap3A_22 = arith.constant 0 : i32
    %swap3A_23 = arith.index_cast %swap3A_22 : i32 to index
    %swap3A_24 = arith.constant 16 : index
    %swap3A_25 = tpu.vector_load %arg5[%swap3A_23, %swap3A_24] {strides = array<i32>} : memref<2x64xf32, #tpu.memory_space<vmem>>, vector<1x16xf32>,
    %swap3A_26 = vector.shape_cast %swap3A_25 : vector<1x16xf32> to vector<16xf32>
    %swap3A_27 = vector.shape_cast %scan3A_9#1 : vector<16xf32> to vector<1x16xf32>
    tpu.vector_store %arg5[%swap3A_23, %swap3A_24], %swap3A_27 {strides = array<i32>} : memref<2x64xf32, #tpu.memory_space<vmem>>, vector<1x16xf32>,
    %swap3A_28 = arith.constant 1 : i32
    %swap3A_29 = arith.index_cast %swap3A_28 : i32 to index
    %swap3A_30 = arith.constant 16 : index
    %swap3A_31 = tpu.vector_load %arg5[%swap3A_29, %swap3A_30] {strides = array<i32>} : memref<2x64xf32, #tpu.memory_space<vmem>>, vector<1x16xf32>,
    %swap3A_32 = vector.shape_cast %swap3A_31 : vector<1x16xf32> to vector<16xf32>
    %swap3A_33 = vector.shape_cast %scan3A_9#5 : vector<16xf32> to vector<1x16xf32>
    tpu.vector_store %arg5[%swap3A_29, %swap3A_30], %swap3A_33 {strides = array<i32>} : memref<2x64xf32, #tpu.memory_space<vmem>>, vector<1x16xf32>,
    %swap3A_34 = arith.constant 0 : i32
    %swap3A_35 = arith.index_cast %swap3A_34 : i32 to index
    %swap3A_36 = arith.constant 32 : index
    %swap3A_37 = tpu.vector_load %arg5[%swap3A_35, %swap3A_36] {strides = array<i32>} : memref<2x64xf32, #tpu.memory_space<vmem>>, vector<1x16xf32>,
    %swap3A_38 = vector.shape_cast %swap3A_37 : vector<1x16xf32> to vector<16xf32>
    %swap3A_39 = vector.shape_cast %scan3A_9#2 : vector<16xf32> to vector<1x16xf32>
    tpu.vector_store %arg5[%swap3A_35, %swap3A_36], %swap3A_39 {strides = array<i32>} : memref<2x64xf32, #tpu.memory_space<vmem>>, vector<1x16xf32>,
    %swap3A_40 = arith.constant 1 : i32
    %swap3A_41 = arith.index_cast %swap3A_40 : i32 to index
    %swap3A_42 = arith.constant 32 : index
    %swap3A_43 = tpu.vector_load %arg5[%swap3A_41, %swap3A_42] {strides = array<i32>} : memref<2x64xf32, #tpu.memory_space<vmem>>, vector<1x16xf32>,
    %swap3A_44 = vector.shape_cast %swap3A_43 : vector<1x16xf32> to vector<16xf32>
    %swap3A_45 = vector.shape_cast %scan3A_9#6 : vector<16xf32> to vector<1x16xf32>
    tpu.vector_store %arg5[%swap3A_41, %swap3A_42], %swap3A_45 {strides = array<i32>} : memref<2x64xf32, #tpu.memory_space<vmem>>, vector<1x16xf32>,
    %swap3A_46 = arith.constant 0 : i32
    %swap3A_47 = arith.index_cast %swap3A_46 : i32 to index
    %swap3A_48 = arith.constant 48 : index
    %swap3A_49 = tpu.vector_load %arg5[%swap3A_47, %swap3A_48] {strides = array<i32>} : memref<2x64xf32, #tpu.memory_space<vmem>>, vector<1x16xf32>,
    %swap3A_50 = vector.shape_cast %swap3A_49 : vector<1x16xf32> to vector<16xf32>
    %swap3A_51 = vector.shape_cast %scan3A_9#3 : vector<16xf32> to vector<1x16xf32>
    tpu.vector_store %arg5[%swap3A_47, %swap3A_48], %swap3A_51 {strides = array<i32>} : memref<2x64xf32, #tpu.memory_space<vmem>>, vector<1x16xf32>,
    %swap3A_52 = arith.constant 1 : i32
    %swap3A_53 = arith.index_cast %swap3A_52 : i32 to index
    %swap3A_54 = arith.constant 48 : index
    %swap3A_55 = tpu.vector_load %arg5[%swap3A_53, %swap3A_54] {strides = array<i32>} : memref<2x64xf32, #tpu.memory_space<vmem>>, vector<1x16xf32>,
    %swap3A_56 = vector.shape_cast %swap3A_55 : vector<1x16xf32> to vector<16xf32>
    %swap3A_57 = vector.shape_cast %scan3A_9#7 : vector<16xf32> to vector<1x16xf32>
    tpu.vector_store %arg5[%swap3A_53, %swap3A_54], %swap3A_57 {strides = array<i32>} : memref<2x64xf32, #tpu.memory_space<vmem>>, vector<1x16xf32>,
    "tpu.region"() ({
      %run_scoped3A = tpu.sem_alloc : memref<!tpu.dma_semaphore, #tpu.memory_space<semaphore_mem>>
      %dma_start3A = arith.constant 0 : i32
      %dma_start3A_58 = arith.constant 0 : i32
      %dma_start3A_59 = tpu.memref_slice %arg3[%add3A, %dma_start3A, %dma_start3A_58] : memref<32x2x64xf32, #tpu.memory_space<hbm>> -> memref<1x2x64xf32, #tpu.memory_space<hbm>>
      %dma_start3A_60 = tpu.memref_squeeze %dma_start3A_59 : memref<1x2x64xf32, #tpu.memory_space<hbm>> -> memref<2x64xf32, #tpu.memory_space<hbm>>
      %dma_start3A_61 = arith.constant 0 : i32
      %dma_start3A_62 = arith.constant 0 : i32
      %dma_start3A_63 = tpu.memref_slice %arg3[%add3A, %dma_start3A_61, %dma_start3A_62] : memref<32x2x64xf32, #tpu.memory_space<hbm>> -> memref<1x2x64xf32, #tpu.memory_space<hbm>>
      %dma_start3A_64 = tpu.memref_squeeze %dma_start3A_63 : memref<1x2x64xf32, #tpu.memory_space<hbm>> -> memref<2x64xf32, #tpu.memory_space<hbm>>
      tpu.enqueue_dma source(%arg5 : memref<2x64xf32, #tpu.memory_space<vmem>>) target(%dma_start3A_64 : memref<2x64xf32, #tpu.memory_space<hbm>>) target_semaphore(%run_scoped3A : memref<!tpu.dma_semaphore, #tpu.memory_space<semaphore_mem>>)
      %dma_wait3A = arith.constant 0 : i32
      %dma_wait3A_65 = arith.constant 0 : i32
      %dma_wait3A_66 = tpu.memref_slice %arg3[%add3A, %dma_wait3A, %dma_wait3A_65] : memref<32x2x64xf32, #tpu.memory_space<hbm>> -> memref<1x2x64xf32, #tpu.memory_space<hbm>>
      %dma_wait3A_67 = tpu.memref_squeeze %dma_wait3A_66 : memref<1x2x64xf32, #tpu.memory_space<hbm>> -> memref<2x64xf32, #tpu.memory_space<hbm>>
      %dma_wait3A_68 = arith.constant 0 : i32
      %dma_wait3A_69 = arith.constant 0 : i32
      %dma_wait3A_70 = tpu.memref_slice %arg3[%add3A, %dma_wait3A_68, %dma_wait3A_69] : memref<32x2x64xf32, #tpu.memory_space<hbm>> -> memref<1x2x64xf32, #tpu.memory_space<hbm>>
      %dma_wait3A_71 = tpu.memref_squeeze %dma_wait3A_70 : memref<1x2x64xf32, #tpu.memory_space<hbm>> -> memref<2x64xf32, #tpu.memory_space<hbm>>
      tpu.wait_dma2 semaphore(%run_scoped3A : memref<!tpu.dma_semaphore, #tpu.memory_space<semaphore_mem>>) src(%arg5 : memref<2x64xf32, #tpu.memory_space<vmem>>) dst(%dma_wait3A_71 : memref<2x64xf32, #tpu.memory_space<hbm>>)
      tpu.yield
    }) : () -> ()
    return
  }
}

module attributes {stable_mosaic.version = 14 : i64} {
  func.func @_body(%arg0: i32, %arg1: memref<512x1024xf32, #tpu.memory_space<vmem>>, %arg2: memref<512x1024xf32, #tpu.memory_space<vmem>>, %arg3: memref<512x128xf32, #tpu.memory_space<vmem>>, %arg4: memref<2048x64xf32, #tpu.memory_space<vmem>>, %arg5: memref<1x64xf32, #tpu.memory_space<vmem>>, %arg6: memref<64x64xf32, #tpu.memory_space<vmem>>, %arg7: memref<1x64xf32, #tpu.memory_space<vmem>>, %arg8: memref<64x64xf32, #tpu.memory_space<vmem>>, %arg9: memref<1x64xf32, #tpu.memory_space<vmem>>, %arg10: memref<64x64xf32, #tpu.memory_space<vmem>>, %arg11: memref<1x64xf32, #tpu.memory_space<vmem>>, %arg12: memref<64x64xf32, #tpu.memory_space<vmem>>, %arg13: memref<1x64xf32, #tpu.memory_space<vmem>>, %arg14: memref<64x2048xbf16, #tpu.memory_space<vmem>>, %arg15: memref<1x2048xf32, #tpu.memory_space<vmem>>, %arg16: memref<64x64xf32, #tpu.memory_space<vmem>>, %arg17: memref<64x4096xbf16, #tpu.memory_space<vmem>>, %arg18: memref<1x4096xbf16, #tpu.memory_space<vmem>>, %arg19: memref<4096x128xbf16, #tpu.memory_space<vmem>>, %arg20: memref<64x128xf32, #tpu.memory_space<vmem>>, %arg21: memref<1x64xi32, #tpu.memory_space<vmem>>, %arg22: memref<64x4096xbf16, #tpu.memory_space<vmem>>, %arg23: memref<512x128xf32, #tpu.memory_space<vmem>>, %arg24: memref<512x1xf32, #tpu.memory_space<vmem>>, %arg25: memref<512x64xf32, #tpu.memory_space<vmem>>, %arg26: memref<512x2048xf32, #tpu.memory_space<vmem>>, %arg27: memref<512x64xf32, #tpu.memory_space<vmem>>) attributes {dimension_semantics = [#tpu.dimension_semantics<arbitrary>], iteration_bounds = array<i64: 16>, scalar_prefetch = 0 : i64, scratch_operands = 0 : i64, tpu.core_type = #tpu.core_type<tc>, window_params = [{transform_indices = @transform_0, window_bounds = array<i64: 512, 1024>}, {transform_indices = @transform_1, window_bounds = array<i64: 512, 1024>}, {transform_indices = @transform_2, window_bounds = array<i64: 512, 128>}, {pipeline_mode = #tpu.pipeline_mode<synchronous>, transform_indices = @transform_3, window_bounds = array<i64: 2048, 64>}, {pipeline_mode = #tpu.pipeline_mode<synchronous>, transform_indices = @transform_4, window_bounds = array<i64: 1, 64>}, {pipeline_mode = #tpu.pipeline_mode<synchronous>, transform_indices = @transform_5, window_bounds = array<i64: 64, 64>}, {pipeline_mode = #tpu.pipeline_mode<synchronous>, transform_indices = @transform_6, window_bounds = array<i64: 1, 64>}, {pipeline_mode = #tpu.pipeline_mode<synchronous>, transform_indices = @transform_7, window_bounds = array<i64: 64, 64>}, {pipeline_mode = #tpu.pipeline_mode<synchronous>, transform_indices = @transform_8, window_bounds = array<i64: 1, 64>}, {pipeline_mode = #tpu.pipeline_mode<synchronous>, transform_indices = @transform_9, window_bounds = array<i64: 64, 64>}, {pipeline_mode = #tpu.pipeline_mode<synchronous>, transform_indices = @transform_10, window_bounds = array<i64: 1, 64>}, {pipeline_mode = #tpu.pipeline_mode<synchronous>, transform_indices = @transform_11, window_bounds = array<i64: 64, 64>}, {pipeline_mode = #tpu.pipeline_mode<synchronous>, transform_indices = @transform_12, window_bounds = array<i64: 1, 64>}, {pipeline_mode = #tpu.pipeline_mode<synchronous>, transform_indices = @transform_13, window_bounds = array<i64: 64, 2048>}, {pipeline_mode = #tpu.pipeline_mode<synchronous>, transform_indices = @transform_14, window_bounds = array<i64: 1, 2048>}, {pipeline_mode = #tpu.pipeline_mode<synchronous>, transform_indices = @transform_15, window_bounds = array<i64: 64, 64>}, {pipeline_mode = #tpu.pipeline_mode<synchronous>, transform_indices = @transform_16, window_bounds = array<i64: 64, 4096>}, {pipeline_mode = #tpu.pipeline_mode<synchronous>, transform_indices = @transform_17, window_bounds = array<i64: 1, 4096>}, {pipeline_mode = #tpu.pipeline_mode<synchronous>, transform_indices = @transform_18, window_bounds = array<i64: 4096, 128>}, {pipeline_mode = #tpu.pipeline_mode<synchronous>, transform_indices = @transform_19, window_bounds = array<i64: 64, 128>}, {pipeline_mode = #tpu.pipeline_mode<synchronous>, transform_indices = @transform_20, window_bounds = array<i64: 1, 64>}, {pipeline_mode = #tpu.pipeline_mode<synchronous>, transform_indices = @transform_21, window_bounds = array<i64: 64, 4096>}, {transform_indices = @transform_22, window_bounds = array<i64: 512, 128>}, {transform_indices = @transform_23, window_bounds = array<i64: 512, 1>}, {transform_indices = @transform_24, window_bounds = array<i64: 512, 64>}, {transform_indices = @transform_25, window_bounds = array<i64: 512, 2048>}, {transform_indices = @transform_26, window_bounds = array<i64: 512, 64>}]} {
    %get3A = arith.constant 0 : index
    %get3A_0 = arith.constant 0 : index
    %get3A_1 = vector.load %arg4[%get3A, %get3A_0] : memref<2048x64xf32, #tpu.memory_space<vmem>>, vector<1024x64xf32>
    %get3A_2 = arith.constant 0 : index
    %get3A_3 = arith.constant 0 : index
    %get3A_4 = vector.load %arg1[%get3A_2, %get3A_3] : memref<512x1024xf32, #tpu.memory_space<vmem>>, vector<512x1024xf32>
    %dot_general3A = arith.constant dense<0.000000e+00> : vector<64x512xf32>
    %dot_general3A_5 = tpu.matmul %get3A_1, %get3A_4, %dot_general3A {dimension_numbers = #tpu.dot_dimension_numbers<[0], [1], [1], [0], [0, 1, 1, 0], [], []>, transpose_lhs_hint = false} : vector<1024x64xf32>, vector<512x1024xf32>, vector<64x512xf32> -> vector<64x512xf32>
    %get3A_6 = arith.constant 1024 : index
    %get3A_7 = arith.constant 0 : index
    %get3A_8 = vector.load %arg4[%get3A_6, %get3A_7] : memref<2048x64xf32, #tpu.memory_space<vmem>>, vector<1024x64xf32>
    %get3A_9 = arith.constant 0 : index
    %get3A_10 = arith.constant 0 : index
    %get3A_11 = vector.load %arg2[%get3A_9, %get3A_10] : memref<512x1024xf32, #tpu.memory_space<vmem>>, vector<512x1024xf32>
    %dot_general3A_12 = arith.constant dense<0.000000e+00> : vector<64x512xf32>
    %dot_general3A_13 = tpu.matmul %get3A_8, %get3A_11, %dot_general3A_12 {dimension_numbers = #tpu.dot_dimension_numbers<[0], [1], [1], [0], [0, 1, 1, 0], [], []>, transpose_lhs_hint = false} : vector<1024x64xf32>, vector<512x1024xf32>, vector<64x512xf32> -> vector<64x512xf32>
    %add3A = arith.addf %dot_general3A_5, %dot_general3A_13 : vector<64x512xf32>
    %transpose3A = tpu.transpose %add3A, [1, 0] : vector<64x512xf32> -> vector<512x64xf32>
    %get3A_14 = arith.constant 0 : index
    %get3A_15 = arith.constant 0 : index
    %get3A_16 = vector.load %arg5[%get3A_14, %get3A_15] : memref<1x64xf32, #tpu.memory_space<vmem>>, vector<1x64xf32>
    %add3A_17 = vector.broadcast %get3A_16 : vector<1x64xf32> to vector<512x64xf32>
    %add3A_18 = arith.addf %transpose3A, %add3A_17 : vector<512x64xf32>
    %max3A = arith.constant 0.000000e+00 : f32
    %max3A_19 = vector.broadcast %max3A : f32 to vector<512x64xf32>
    %max3A_20 = arith.maximumf %add3A_18, %max3A_19 : vector<512x64xf32>
    %get3A_21 = arith.constant 0 : index
    %get3A_22 = arith.constant 0 : index
    %get3A_23 = vector.load %arg6[%get3A_21, %get3A_22] : memref<64x64xf32, #tpu.memory_space<vmem>>, vector<64x64xf32>
    %dot_general3A_24 = arith.constant dense<0.000000e+00> : vector<512x64xf32>
    %dot_general3A_25 = tpu.matmul %max3A_20, %get3A_23, %dot_general3A_24 {dimension_numbers = #tpu.dot_dimension_numbers<[1], [0], [0], [1], [0, 0, 1, 1], [], []>, transpose_lhs_hint = false} : vector<512x64xf32>, vector<64x64xf32>, vector<512x64xf32> -> vector<512x64xf32>
    %get3A_26 = arith.constant 0 : index
    %get3A_27 = arith.constant 0 : index
    %get3A_28 = vector.load %arg7[%get3A_26, %get3A_27] : memref<1x64xf32, #tpu.memory_space<vmem>>, vector<1x64xf32>
    %add3A_29 = vector.broadcast %get3A_28 : vector<1x64xf32> to vector<512x64xf32>
    %add3A_30 = arith.addf %dot_general3A_25, %add3A_29 : vector<512x64xf32>
    %max3A_31 = arith.constant 0.000000e+00 : f32
    %max3A_32 = vector.broadcast %max3A_31 : f32 to vector<512x64xf32>
    %max3A_33 = arith.maximumf %add3A_30, %max3A_32 : vector<512x64xf32>
    %get3A_34 = arith.constant 0 : index
    %get3A_35 = arith.constant 0 : index
    %get3A_36 = vector.load %arg8[%get3A_34, %get3A_35] : memref<64x64xf32, #tpu.memory_space<vmem>>, vector<64x64xf32>
    %dot_general3A_37 = arith.constant dense<0.000000e+00> : vector<512x64xf32>
    %dot_general3A_38 = tpu.matmul %max3A_33, %get3A_36, %dot_general3A_37 {dimension_numbers = #tpu.dot_dimension_numbers<[1], [0], [0], [1], [0, 0, 1, 1], [], []>, transpose_lhs_hint = false} : vector<512x64xf32>, vector<64x64xf32>, vector<512x64xf32> -> vector<512x64xf32>
    %get3A_39 = arith.constant 0 : index
    %get3A_40 = arith.constant 0 : index
    %get3A_41 = vector.load %arg9[%get3A_39, %get3A_40] : memref<1x64xf32, #tpu.memory_space<vmem>>, vector<1x64xf32>
    %add3A_42 = vector.broadcast %get3A_41 : vector<1x64xf32> to vector<512x64xf32>
    %add3A_43 = arith.addf %dot_general3A_38, %add3A_42 : vector<512x64xf32>
    %swap3A = arith.constant 0 : index
    %swap3A_44 = arith.constant 0 : index
    %swap3A_45 = vector.load %arg25[%swap3A, %swap3A_44] : memref<512x64xf32, #tpu.memory_space<vmem>>, vector<512x64xf32>
    tpu.vector_store %arg25[%swap3A, %swap3A_44], %add3A_43 {strides = array<i32>} : memref<512x64xf32, #tpu.memory_space<vmem>>, vector<512x64xf32>,
    %get3A_46 = arith.constant 0 : index
    %get3A_47 = arith.constant 0 : index
    %get3A_48 = vector.load %arg10[%get3A_46, %get3A_47] : memref<64x64xf32, #tpu.memory_space<vmem>>, vector<64x64xf32>
    %dot_general3A_49 = arith.constant dense<0.000000e+00> : vector<512x64xf32>
    %dot_general3A_50 = tpu.matmul %add3A_43, %get3A_48, %dot_general3A_49 {dimension_numbers = #tpu.dot_dimension_numbers<[1], [0], [0], [1], [0, 0, 1, 1], [], []>, transpose_lhs_hint = false} : vector<512x64xf32>, vector<64x64xf32>, vector<512x64xf32> -> vector<512x64xf32>
    %get3A_51 = arith.constant 0 : index
    %get3A_52 = arith.constant 0 : index
    %get3A_53 = vector.load %arg11[%get3A_51, %get3A_52] : memref<1x64xf32, #tpu.memory_space<vmem>>, vector<1x64xf32>
    %add3A_54 = vector.broadcast %get3A_53 : vector<1x64xf32> to vector<512x64xf32>
    %add3A_55 = arith.addf %dot_general3A_50, %add3A_54 : vector<512x64xf32>
    %max3A_56 = arith.constant 0.000000e+00 : f32
    %max3A_57 = vector.broadcast %max3A_56 : f32 to vector<512x64xf32>
    %max3A_58 = arith.maximumf %add3A_55, %max3A_57 : vector<512x64xf32>
    %get3A_59 = arith.constant 0 : index
    %get3A_60 = arith.constant 0 : index
    %get3A_61 = vector.load %arg12[%get3A_59, %get3A_60] : memref<64x64xf32, #tpu.memory_space<vmem>>, vector<64x64xf32>
    %dot_general3A_62 = arith.constant dense<0.000000e+00> : vector<512x64xf32>
    %dot_general3A_63 = tpu.matmul %max3A_58, %get3A_61, %dot_general3A_62 {dimension_numbers = #tpu.dot_dimension_numbers<[1], [0], [0], [1], [0, 0, 1, 1], [], []>, transpose_lhs_hint = false} : vector<512x64xf32>, vector<64x64xf32>, vector<512x64xf32> -> vector<512x64xf32>
    %get3A_64 = arith.constant 0 : index
    %get3A_65 = arith.constant 0 : index
    %get3A_66 = vector.load %arg13[%get3A_64, %get3A_65] : memref<1x64xf32, #tpu.memory_space<vmem>>, vector<1x64xf32>
    %add3A_67 = vector.broadcast %get3A_66 : vector<1x64xf32> to vector<512x64xf32>
    %add3A_68 = arith.addf %dot_general3A_63, %add3A_67 : vector<512x64xf32>
    %max3A_69 = arith.constant 0.000000e+00 : f32
    %max3A_70 = vector.broadcast %max3A_69 : f32 to vector<512x64xf32>
    %max3A_71 = arith.maximumf %add3A_68, %max3A_70 : vector<512x64xf32>
    %convert_element_type3A = arith.truncf %max3A_71 : vector<512x64xf32> to vector<512x64xbf16>
    %get3A_72 = arith.constant 0 : index
    %get3A_73 = arith.constant 0 : index
    %get3A_74 = vector.load %arg14[%get3A_72, %get3A_73] : memref<64x2048xbf16, #tpu.memory_space<vmem>>, vector<64x2048xbf16>
    %dot_general3A_75 = arith.constant dense<0.000000e+00> : vector<512x2048xf32>
    %dot_general3A_76 = tpu.matmul %convert_element_type3A, %get3A_74, %dot_general3A_75 {dimension_numbers = #tpu.dot_dimension_numbers<[1], [0], [0], [1], [0, 0, 1, 1], [], []>, transpose_lhs_hint = false} : vector<512x64xbf16>, vector<64x2048xbf16>, vector<512x2048xf32> -> vector<512x2048xf32>
    %get3A_77 = arith.constant 0 : index
    %get3A_78 = arith.constant 0 : index
    %get3A_79 = vector.load %arg15[%get3A_77, %get3A_78] : memref<1x2048xf32, #tpu.memory_space<vmem>>, vector<1x2048xf32>
    %add3A_80 = vector.broadcast %get3A_79 : vector<1x2048xf32> to vector<512x2048xf32>
    %add3A_81 = arith.addf %dot_general3A_76, %add3A_80 : vector<512x2048xf32>
    %swap3A_82 = arith.constant 0 : index
    %swap3A_83 = arith.constant 0 : index
    %swap3A_84 = vector.load %arg26[%swap3A_82, %swap3A_83] : memref<512x2048xf32, #tpu.memory_space<vmem>>, vector<512x2048xf32>
    tpu.vector_store %arg26[%swap3A_82, %swap3A_83], %add3A_81 {strides = array<i32>} : memref<512x2048xf32, #tpu.memory_space<vmem>>, vector<512x2048xf32>,
    %get3A_85 = arith.constant 0 : index
    %get3A_86 = arith.constant 0 : index
    %get3A_87 = vector.load %arg16[%get3A_85, %get3A_86] : memref<64x64xf32, #tpu.memory_space<vmem>>, vector<64x64xf32>
    %dot_general3A_88 = arith.constant dense<0.000000e+00> : vector<512x64xf32>
    %dot_general3A_89 = tpu.matmul %add3A_43, %get3A_87, %dot_general3A_88 {dimension_numbers = #tpu.dot_dimension_numbers<[1], [0], [0], [1], [0, 0, 1, 1], [], []>, transpose_lhs_hint = false} : vector<512x64xf32>, vector<64x64xf32>, vector<512x64xf32> -> vector<512x64xf32>
    %get3A_90 = arith.constant 0 : index
    %get3A_91 = arith.constant 0 : index
    %get3A_92 = vector.load %arg21[%get3A_90, %get3A_91] : memref<1x64xi32, #tpu.memory_space<vmem>>, vector<1x64xi32>
    %reduce_max3A = arith.constant dense<0xFF800000> : vector<512xf32>
    %reduce_max3A_93 = vector.multi_reduction <maximumf>, %dot_general3A_89, %reduce_max3A [1] : vector<512x64xf32> to vector<512xf32>
    %broadcast_in_dim3A = vector.shape_cast %reduce_max3A_93 : vector<512xf32> to vector<512x1xf32>
    %eq3A = vector.broadcast %broadcast_in_dim3A : vector<512x1xf32> to vector<512x64xf32>
    %eq3A_94 = arith.cmpf oeq, %dot_general3A_89, %eq3A : vector<512x64xf32>
    %jit3A = arith.constant 64 : i32
    %broadcast_in_dim3A_95 = vector.shape_cast %get3A_92 : vector<1x64xi32> to vector<1x64xi32>
    %broadcast_in_dim3A_96 = vector.broadcast %broadcast_in_dim3A_95 : vector<1x64xi32> to vector<512x64xi32>
    %broadcast_in_dim3A_97 = vector.broadcast %jit3A : i32 to vector<512x64xi32>
    %select_n3A = arith.select %eq3A_94, %broadcast_in_dim3A_96, %broadcast_in_dim3A_97 : vector<512x64xi1>, vector<512x64xi32>
    %reduce_min3A = arith.constant dense<2147483647> : vector<512xi32>
    %reduce_min3A_98 = vector.multi_reduction <minsi>, %select_n3A, %reduce_min3A [1] : vector<512x64xi32> to vector<512xi32>
    %broadcast_in_dim3A_99 = vector.shape_cast %reduce_min3A_98 : vector<512xi32> to vector<512x1xi32>
    %eq3A_100 = vector.broadcast %get3A_92 : vector<1x64xi32> to vector<512x64xi32>
    %eq3A_101 = vector.broadcast %broadcast_in_dim3A_99 : vector<512x1xi32> to vector<512x64xi32>
    %eq3A_102 = arith.cmpi eq, %eq3A_100, %eq3A_101 : vector<512x64xi32>
    %jit3A_103 = arith.constant 0xFF800000 : f32
    %broadcast_in_dim3A_104 = vector.broadcast %jit3A_103 : f32 to vector<512x64xf32>
    %select_n3A_105 = arith.select %eq3A_102, %broadcast_in_dim3A_104, %dot_general3A_89 : vector<512x64xi1>, vector<512x64xf32>
    %reduce_max3A_106 = arith.constant dense<0xFF800000> : vector<512xf32>
    %reduce_max3A_107 = vector.multi_reduction <maximumf>, %select_n3A_105, %reduce_max3A_106 [1] : vector<512x64xf32> to vector<512xf32>
    %broadcast_in_dim3A_108 = vector.shape_cast %reduce_max3A_107 : vector<512xf32> to vector<512x1xf32>
    %eq3A_109 = vector.broadcast %broadcast_in_dim3A_108 : vector<512x1xf32> to vector<512x64xf32>
    %eq3A_110 = arith.cmpf oeq, %select_n3A_105, %eq3A_109 : vector<512x64xf32>
    %jit3A_111 = arith.constant 64 : i32
    %broadcast_in_dim3A_112 = vector.shape_cast %get3A_92 : vector<1x64xi32> to vector<1x64xi32>
    %broadcast_in_dim3A_113 = vector.broadcast %broadcast_in_dim3A_112 : vector<1x64xi32> to vector<512x64xi32>
    %broadcast_in_dim3A_114 = vector.broadcast %jit3A_111 : i32 to vector<512x64xi32>
    %select_n3A_115 = arith.select %eq3A_110, %broadcast_in_dim3A_113, %broadcast_in_dim3A_114 : vector<512x64xi1>, vector<512x64xi32>
    %reduce_min3A_116 = arith.constant dense<2147483647> : vector<512xi32>
    %reduce_min3A_117 = vector.multi_reduction <minsi>, %select_n3A_115, %reduce_min3A_116 [1] : vector<512x64xi32> to vector<512xi32>
    %broadcast_in_dim3A_118 = vector.shape_cast %reduce_min3A_117 : vector<512xi32> to vector<512x1xi32>
    %sub3A = arith.subf %broadcast_in_dim3A_108, %broadcast_in_dim3A : vector<512x1xf32>
    %exp3A = math.exp %sub3A : vector<512x1xf32>
    %add3A_119 = arith.constant 1.000000e+00 : f32
    %add3A_120 = vector.broadcast %add3A_119 : f32 to vector<512x1xf32>
    %add3A_121 = arith.addf %add3A_120, %exp3A : vector<512x1xf32>
    %div3A = arith.constant 1.000000e+00 : f32
    %div3A_122 = vector.broadcast %div3A : f32 to vector<512x1xf32>
    %div3A_123 = arith.divf %div3A_122, %add3A_121 : vector<512x1xf32>
    %div3A_124 = arith.divf %exp3A, %add3A_121 : vector<512x1xf32>
    %eq3A_125 = vector.broadcast %get3A_92 : vector<1x64xi32> to vector<512x64xi32>
    %eq3A_126 = vector.broadcast %broadcast_in_dim3A_99 : vector<512x1xi32> to vector<512x64xi32>
    %eq3A_127 = arith.cmpi eq, %eq3A_125, %eq3A_126 : vector<512x64xi32>
    %jit3A_128 = arith.constant 0.000000e+00 : f32
    %broadcast_in_dim3A_129 = vector.shape_cast %div3A_123 : vector<512x1xf32> to vector<512x1xf32>
    %broadcast_in_dim3A_130 = vector.broadcast %broadcast_in_dim3A_129 : vector<512x1xf32> to vector<512x64xf32>
    %broadcast_in_dim3A_131 = vector.broadcast %jit3A_128 : f32 to vector<512x64xf32>
    %select_n3A_132 = arith.select %eq3A_127, %broadcast_in_dim3A_130, %broadcast_in_dim3A_131 : vector<512x64xi1>, vector<512x64xf32>
    %eq3A_133 = vector.broadcast %get3A_92 : vector<1x64xi32> to vector<512x64xi32>
    %eq3A_134 = vector.broadcast %broadcast_in_dim3A_118 : vector<512x1xi32> to vector<512x64xi32>
    %eq3A_135 = arith.cmpi eq, %eq3A_133, %eq3A_134 : vector<512x64xi32>
    %jit3A_136 = arith.constant 0.000000e+00 : f32
    %broadcast_in_dim3A_137 = vector.shape_cast %div3A_124 : vector<512x1xf32> to vector<512x1xf32>
    %broadcast_in_dim3A_138 = vector.broadcast %broadcast_in_dim3A_137 : vector<512x1xf32> to vector<512x64xf32>
    %broadcast_in_dim3A_139 = vector.broadcast %jit3A_136 : f32 to vector<512x64xf32>
    %select_n3A_140 = arith.select %eq3A_135, %broadcast_in_dim3A_138, %broadcast_in_dim3A_139 : vector<512x64xi1>, vector<512x64xf32>
    %add3A_141 = arith.addf %select_n3A_132, %select_n3A_140 : vector<512x64xf32>
    %swap3A_142 = arith.constant 0 : index
    %swap3A_143 = arith.constant 0 : index
    %swap3A_144 = vector.load %arg27[%swap3A_142, %swap3A_143] : memref<512x64xf32, #tpu.memory_space<vmem>>, vector<512x64xf32>
    tpu.vector_store %arg27[%swap3A_142, %swap3A_143], %add3A_141 {strides = array<i32>} : memref<512x64xf32, #tpu.memory_space<vmem>>, vector<512x64xf32>,
    %convert_element_type3A_145 = arith.truncf %add3A_43 : vector<512x64xf32> to vector<512x64xbf16>
    %get3A_146 = arith.constant 0 : index
    %get3A_147 = arith.constant 0 : index
    %get3A_148 = vector.load %arg17[%get3A_146, %get3A_147] : memref<64x4096xbf16, #tpu.memory_space<vmem>>, vector<64x4096xbf16>
    %dot_general3A_149 = arith.constant dense<0.000000e+00> : vector<512x4096xf32>
    %dot_general3A_150 = tpu.matmul %convert_element_type3A_145, %get3A_148, %dot_general3A_149 {dimension_numbers = #tpu.dot_dimension_numbers<[1], [0], [0], [1], [0, 0, 1, 1], [], []>, transpose_lhs_hint = false} : vector<512x64xbf16>, vector<64x4096xbf16>, vector<512x4096xf32> -> vector<512x4096xf32>
    %get3A_151 = arith.constant 0 : index
    %get3A_152 = arith.constant 0 : index
    %get3A_153 = vector.load %arg18[%get3A_151, %get3A_152] : memref<1x4096xbf16, #tpu.memory_space<vmem>>, vector<1x4096xbf16>
    %convert_element_type3A_154 = arith.extf %get3A_153 : vector<1x4096xbf16> to vector<1x4096xf32>
    %add3A_155 = vector.broadcast %convert_element_type3A_154 : vector<1x4096xf32> to vector<512x4096xf32>
    %add3A_156 = arith.addf %dot_general3A_150, %add3A_155 : vector<512x4096xf32>
    %max3A_157 = arith.constant 0.000000e+00 : f32
    %max3A_158 = vector.broadcast %max3A_157 : f32 to vector<512x4096xf32>
    %max3A_159 = arith.maximumf %add3A_156, %max3A_158 : vector<512x4096xf32>
    %convert_element_type3A_160 = arith.truncf %max3A_159 : vector<512x4096xf32> to vector<512x4096xbf16>
    %convert_element_type3A_161 = arith.truncf %add3A_141 : vector<512x64xf32> to vector<512x64xbf16>
    %get3A_162 = arith.constant 0 : index
    %get3A_163 = arith.constant 0 : index
    %get3A_164 = vector.load %arg22[%get3A_162, %get3A_163] : memref<64x4096xbf16, #tpu.memory_space<vmem>>, vector<64x4096xbf16>
    %dot_general3A_165 = arith.constant dense<0.000000e+00> : vector<512x4096xf32>
    %dot_general3A_166 = tpu.matmul %convert_element_type3A_161, %get3A_164, %dot_general3A_165 {dimension_numbers = #tpu.dot_dimension_numbers<[1], [0], [0], [1], [0, 0, 1, 1], [], []>, transpose_lhs_hint = false} : vector<512x64xbf16>, vector<64x4096xbf16>, vector<512x4096xf32> -> vector<512x4096xf32>
    %convert_element_type3A_167 = arith.truncf %dot_general3A_166 : vector<512x4096xf32> to vector<512x4096xbf16>
    %mul3A = arith.mulf %convert_element_type3A_160, %convert_element_type3A_167 : vector<512x4096xbf16>
    %get3A_168 = arith.constant 0 : index
    %get3A_169 = arith.constant 0 : index
    %get3A_170 = vector.load %arg19[%get3A_168, %get3A_169] : memref<4096x128xbf16, #tpu.memory_space<vmem>>, vector<4096x128xbf16>
    %dot_general3A_171 = arith.constant dense<0.000000e+00> : vector<512x128xf32>
    %dot_general3A_172 = tpu.matmul %mul3A, %get3A_170, %dot_general3A_171 {dimension_numbers = #tpu.dot_dimension_numbers<[1], [0], [0], [1], [0, 0, 1, 1], [], []>, transpose_lhs_hint = false} : vector<512x4096xbf16>, vector<4096x128xbf16>, vector<512x128xf32> -> vector<512x128xf32>
    %get3A_173 = arith.constant 0 : index
    %get3A_174 = arith.constant 0 : index
    %get3A_175 = vector.load %arg20[%get3A_173, %get3A_174] : memref<64x128xf32, #tpu.memory_space<vmem>>, vector<64x128xf32>
    %dot_general3A_176 = arith.constant dense<0.000000e+00> : vector<512x128xf32>
    %dot_general3A_177 = tpu.matmul %add3A_141, %get3A_175, %dot_general3A_176 {dimension_numbers = #tpu.dot_dimension_numbers<[1], [0], [0], [1], [0, 0, 1, 1], [], []>, transpose_lhs_hint = false} : vector<512x64xf32>, vector<64x128xf32>, vector<512x128xf32> -> vector<512x128xf32>
    %add3A_178 = arith.addf %dot_general3A_172, %dot_general3A_177 : vector<512x128xf32>
    %swap3A_179 = arith.constant 0 : index
    %swap3A_180 = arith.constant 0 : index
    %swap3A_181 = vector.load %arg23[%swap3A_179, %swap3A_180] : memref<512x128xf32, #tpu.memory_space<vmem>>, vector<512x128xf32>
    tpu.vector_store %arg23[%swap3A_179, %swap3A_180], %add3A_178 {strides = array<i32>} : memref<512x128xf32, #tpu.memory_space<vmem>>, vector<512x128xf32>,
    %get3A_182 = arith.constant 0 : index
    %get3A_183 = arith.constant 0 : index
    %get3A_184 = vector.load %arg3[%get3A_182, %get3A_183] : memref<512x128xf32, #tpu.memory_space<vmem>>, vector<512x128xf32>
    %mul3A_185 = arith.mulf %get3A_184, %add3A_178 : vector<512x128xf32>
    %reduce_sum3A = arith.constant dense<0.000000e+00> : vector<512xf32>
    %reduce_sum3A_186 = vector.multi_reduction <add>, %mul3A_185, %reduce_sum3A [1] : vector<512x128xf32> to vector<512xf32>
    %broadcast_in_dim3A_187 = vector.shape_cast %reduce_sum3A_186 : vector<512xf32> to vector<512x1xf32>
    %neg3A = arith.constant 0.000000e+00 : f32
    %neg3A_188 = vector.broadcast %neg3A : f32 to vector<512x1xf32>
    %neg3A_189 = arith.subf %neg3A_188, %broadcast_in_dim3A_187 : vector<512x1xf32>
    %exp3A_190 = math.exp %neg3A_189 : vector<512x1xf32>
    %add3A_191 = arith.constant 1.000000e+00 : f32
    %add3A_192 = vector.broadcast %add3A_191 : f32 to vector<512x1xf32>
    %add3A_193 = arith.addf %add3A_192, %exp3A_190 : vector<512x1xf32>
    %div3A_194 = arith.constant 1.000000e+00 : f32
    %div3A_195 = vector.broadcast %div3A_194 : f32 to vector<512x1xf32>
    %div3A_196 = arith.divf %div3A_195, %add3A_193 : vector<512x1xf32>
    %swap3A_197 = arith.constant 0 : index
    %swap3A_198 = arith.constant 0 : index
    %swap3A_199 = vector.load %arg24[%swap3A_197, %swap3A_198] : memref<512x1xf32, #tpu.memory_space<vmem>>, vector<512x1xf32>
    tpu.vector_store %arg24[%swap3A_197, %swap3A_198], %div3A_196 {strides = array<i32>} : memref<512x1xf32, #tpu.memory_space<vmem>>, vector<512x1xf32>,
    return
  }
  func.func @transform_0(%arg0: i32) -> (i32, i32) {
    %c0_i32 = arith.constant 0 : i32
    %c0_i32_0 = arith.constant 0 : i32
    return %arg0, %c0_i32 : i32, i32
  }
  func.func @transform_1(%arg0: i32) -> (i32, i32) {
    %c1_i32 = arith.constant 1 : i32
    %c0_i32 = arith.constant 0 : i32
    return %arg0, %c1_i32 : i32, i32
  }
  func.func @transform_2(%arg0: i32) -> (i32, i32) {
    %c0_i32 = arith.constant 0 : i32
    %c0_i32_0 = arith.constant 0 : i32
    return %arg0, %c0_i32 : i32, i32
  }
  func.func @transform_3(%arg0: i32) -> (i32, i32) {
    %c0_i32 = arith.constant 0 : i32
    %c0_i32_0 = arith.constant 0 : i32
    %c0_i32_1 = arith.constant 0 : i32
    return %c0_i32, %c0_i32_0 : i32, i32
  }
  func.func @transform_4(%arg0: i32) -> (i32, i32) {
    %c0_i32 = arith.constant 0 : i32
    %c0_i32_0 = arith.constant 0 : i32
    %c0_i32_1 = arith.constant 0 : i32
    return %c0_i32, %c0_i32_0 : i32, i32
  }
  func.func @transform_5(%arg0: i32) -> (i32, i32) {
    %c0_i32 = arith.constant 0 : i32
    %c0_i32_0 = arith.constant 0 : i32
    %c0_i32_1 = arith.constant 0 : i32
    return %c0_i32, %c0_i32_0 : i32, i32
  }
  func.func @transform_6(%arg0: i32) -> (i32, i32) {
    %c0_i32 = arith.constant 0 : i32
    %c0_i32_0 = arith.constant 0 : i32
    %c0_i32_1 = arith.constant 0 : i32
    return %c0_i32, %c0_i32_0 : i32, i32
  }
  func.func @transform_7(%arg0: i32) -> (i32, i32) {
    %c0_i32 = arith.constant 0 : i32
    %c0_i32_0 = arith.constant 0 : i32
    %c0_i32_1 = arith.constant 0 : i32
    return %c0_i32, %c0_i32_0 : i32, i32
  }
  func.func @transform_8(%arg0: i32) -> (i32, i32) {
    %c0_i32 = arith.constant 0 : i32
    %c0_i32_0 = arith.constant 0 : i32
    %c0_i32_1 = arith.constant 0 : i32
    return %c0_i32, %c0_i32_0 : i32, i32
  }
  func.func @transform_9(%arg0: i32) -> (i32, i32) {
    %c0_i32 = arith.constant 0 : i32
    %c0_i32_0 = arith.constant 0 : i32
    %c0_i32_1 = arith.constant 0 : i32
    return %c0_i32, %c0_i32_0 : i32, i32
  }
  func.func @transform_10(%arg0: i32) -> (i32, i32) {
    %c0_i32 = arith.constant 0 : i32
    %c0_i32_0 = arith.constant 0 : i32
    %c0_i32_1 = arith.constant 0 : i32
    return %c0_i32, %c0_i32_0 : i32, i32
  }
  func.func @transform_11(%arg0: i32) -> (i32, i32) {
    %c0_i32 = arith.constant 0 : i32
    %c0_i32_0 = arith.constant 0 : i32
    %c0_i32_1 = arith.constant 0 : i32
    return %c0_i32, %c0_i32_0 : i32, i32
  }
  func.func @transform_12(%arg0: i32) -> (i32, i32) {
    %c0_i32 = arith.constant 0 : i32
    %c0_i32_0 = arith.constant 0 : i32
    %c0_i32_1 = arith.constant 0 : i32
    return %c0_i32, %c0_i32_0 : i32, i32
  }
  func.func @transform_13(%arg0: i32) -> (i32, i32) {
    %c0_i32 = arith.constant 0 : i32
    %c0_i32_0 = arith.constant 0 : i32
    %c0_i32_1 = arith.constant 0 : i32
    return %c0_i32, %c0_i32_0 : i32, i32
  }
  func.func @transform_14(%arg0: i32) -> (i32, i32) {
    %c0_i32 = arith.constant 0 : i32
    %c0_i32_0 = arith.constant 0 : i32
    %c0_i32_1 = arith.constant 0 : i32
    return %c0_i32, %c0_i32_0 : i32, i32
  }
  func.func @transform_15(%arg0: i32) -> (i32, i32) {
    %c0_i32 = arith.constant 0 : i32
    %c0_i32_0 = arith.constant 0 : i32
    %c0_i32_1 = arith.constant 0 : i32
    return %c0_i32, %c0_i32_0 : i32, i32
  }
  func.func @transform_16(%arg0: i32) -> (i32, i32) {
    %c0_i32 = arith.constant 0 : i32
    %c0_i32_0 = arith.constant 0 : i32
    %c0_i32_1 = arith.constant 0 : i32
    return %c0_i32, %c0_i32_0 : i32, i32
  }
  func.func @transform_17(%arg0: i32) -> (i32, i32) {
    %c0_i32 = arith.constant 0 : i32
    %c0_i32_0 = arith.constant 0 : i32
    %c0_i32_1 = arith.constant 0 : i32
    return %c0_i32, %c0_i32_0 : i32, i32
  }
  func.func @transform_18(%arg0: i32) -> (i32, i32) {
    %c0_i32 = arith.constant 0 : i32
    %c0_i32_0 = arith.constant 0 : i32
    %c0_i32_1 = arith.constant 0 : i32
    return %c0_i32, %c0_i32_0 : i32, i32
  }
  func.func @transform_19(%arg0: i32) -> (i32, i32) {
    %c0_i32 = arith.constant 0 : i32
    %c0_i32_0 = arith.constant 0 : i32
    %c0_i32_1 = arith.constant 0 : i32
    return %c0_i32, %c0_i32_0 : i32, i32
  }
  func.func @transform_20(%arg0: i32) -> (i32, i32) {
    %c0_i32 = arith.constant 0 : i32
    %c0_i32_0 = arith.constant 0 : i32
    %c0_i32_1 = arith.constant 0 : i32
    return %c0_i32, %c0_i32_0 : i32, i32
  }
  func.func @transform_21(%arg0: i32) -> (i32, i32) {
    %c0_i32 = arith.constant 0 : i32
    %c0_i32_0 = arith.constant 0 : i32
    %c0_i32_1 = arith.constant 0 : i32
    return %c0_i32, %c0_i32_0 : i32, i32
  }
  func.func @transform_22(%arg0: i32) -> (i32, i32) {
    %c0_i32 = arith.constant 0 : i32
    %c0_i32_0 = arith.constant 0 : i32
    return %arg0, %c0_i32 : i32, i32
  }
  func.func @transform_23(%arg0: i32) -> (i32, i32) {
    %c0_i32 = arith.constant 0 : i32
    %c0_i32_0 = arith.constant 0 : i32
    return %arg0, %c0_i32 : i32, i32
  }
  func.func @transform_24(%arg0: i32) -> (i32, i32) {
    %c0_i32 = arith.constant 0 : i32
    %c0_i32_0 = arith.constant 0 : i32
    return %arg0, %c0_i32 : i32, i32
  }
  func.func @transform_25(%arg0: i32) -> (i32, i32) {
    %c0_i32 = arith.constant 0 : i32
    %c0_i32_0 = arith.constant 0 : i32
    return %arg0, %c0_i32 : i32, i32
  }
  func.func @transform_26(%arg0: i32) -> (i32, i32) {
    %c0_i32 = arith.constant 0 : i32
    %c0_i32_0 = arith.constant 0 : i32
    return %arg0, %c0_i32 : i32, i32
  }
}

module attributes {stable_mosaic.version = 14 : i64} {
  func.func @_loss_body(%arg0: memref<32x2x64xf32, #tpu.memory_space<vmem>>, %arg1: memref<1x1xf32, #tpu.memory_space<smem>>) attributes {dimension_semantics = [], scalar_prefetch = 0 : i64, scratch_operands = 0 : i64, tpu.core_type = #tpu.core_type<tc>} {
    %get3A = arith.constant 0 : index
    %get3A_0 = arith.constant 0 : index
    %get3A_1 = arith.constant 0 : index
    %get3A_2 = vector.load %arg0[%get3A, %get3A_0, %get3A_1] : memref<32x2x64xf32, #tpu.memory_space<vmem>>, vector<32x1x64xf32>
    %get3A_3 = vector.shape_cast %get3A_2 : vector<32x1x64xf32> to vector<32x64xf32>
    %reduce_sum3A = arith.constant dense<0.000000e+00> : vector<64xf32>
    %reduce_sum3A_4 = vector.multi_reduction <add>, %get3A_3, %reduce_sum3A [0] : vector<32x64xf32> to vector<64xf32>
    %broadcast_in_dim3A = vector.shape_cast %reduce_sum3A_4 : vector<64xf32> to vector<1x64xf32>
    %get3A_5 = arith.constant 0 : index
    %get3A_6 = arith.constant 1 : index
    %get3A_7 = arith.constant 0 : index
    %get3A_8 = vector.load %arg0[%get3A_5, %get3A_6, %get3A_7] : memref<32x2x64xf32, #tpu.memory_space<vmem>>, vector<32x1x64xf32>
    %get3A_9 = vector.shape_cast %get3A_8 : vector<32x1x64xf32> to vector<32x64xf32>
    %reduce_sum3A_10 = arith.constant dense<0.000000e+00> : vector<64xf32>
    %reduce_sum3A_11 = vector.multi_reduction <add>, %get3A_9, %reduce_sum3A_10 [0] : vector<32x64xf32> to vector<64xf32>
    %broadcast_in_dim3A_12 = vector.shape_cast %reduce_sum3A_11 : vector<64xf32> to vector<1x64xf32>
    %reduce_sum3A_13 = vector.shape_cast %broadcast_in_dim3A : vector<1x64xf32> to vector<1x1x64xf32>
    %reduce_sum3A_14 = arith.constant dense<0.000000e+00> : vector<1xf32>
    %reduce_sum3A_15 = vector.multi_reduction <add>, %reduce_sum3A_13, %reduce_sum3A_14 [1, 2] : vector<1x1x64xf32> to vector<1xf32>
    %reduce_sum3A_16 = vector.shape_cast %reduce_sum3A_15 : vector<1xf32> to vector<1x1x1xf32>
    %reduce_sum3A_17 = vector.extract %reduce_sum3A_16[0, 0, 0] : f32 from vector<1x1x1xf32>
    %div3A = arith.constant 6.400000e+01 : f32
    %div3A_18 = arith.divf %reduce_sum3A_17, %div3A : f32
    %sub3A = vector.broadcast %div3A_18 : f32 to vector<1x64xf32>
    %sub3A_19 = arith.subf %broadcast_in_dim3A, %sub3A : vector<1x64xf32>
    %integer_pow3A = arith.mulf %sub3A_19, %sub3A_19 : vector<1x64xf32>
    %reduce_sum3A_20 = vector.shape_cast %integer_pow3A : vector<1x64xf32> to vector<1x1x64xf32>
    %reduce_sum3A_21 = arith.constant dense<0.000000e+00> : vector<1xf32>
    %reduce_sum3A_22 = vector.multi_reduction <add>, %reduce_sum3A_20, %reduce_sum3A_21 [1, 2] : vector<1x1x64xf32> to vector<1xf32>
    %reduce_sum3A_23 = vector.shape_cast %reduce_sum3A_22 : vector<1xf32> to vector<1x1x1xf32>
    %reduce_sum3A_24 = vector.extract %reduce_sum3A_23[0, 0, 0] : f32 from vector<1x1x1xf32>
    %div3A_25 = arith.constant 6.300000e+01 : f32
    %div3A_26 = arith.divf %reduce_sum3A_24, %div3A_25 : f32
    %mul3A = arith.mulf %div3A_18, %div3A_18 : f32
    %add3A = arith.constant 1.000000e-10 : f32
    %add3A_27 = arith.addf %mul3A, %add3A : f32
    %div3A_28 = arith.divf %div3A_26, %add3A_27 : f32
    %reduce_sum3A_29 = vector.shape_cast %broadcast_in_dim3A_12 : vector<1x64xf32> to vector<1x1x64xf32>
    %reduce_sum3A_30 = arith.constant dense<0.000000e+00> : vector<1xf32>
    %reduce_sum3A_31 = vector.multi_reduction <add>, %reduce_sum3A_29, %reduce_sum3A_30 [1, 2] : vector<1x1x64xf32> to vector<1xf32>
    %reduce_sum3A_32 = vector.shape_cast %reduce_sum3A_31 : vector<1xf32> to vector<1x1x1xf32>
    %reduce_sum3A_33 = vector.extract %reduce_sum3A_32[0, 0, 0] : f32 from vector<1x1x1xf32>
    %div3A_34 = arith.constant 6.400000e+01 : f32
    %div3A_35 = arith.divf %reduce_sum3A_33, %div3A_34 : f32
    %sub3A_36 = vector.broadcast %div3A_35 : f32 to vector<1x64xf32>
    %sub3A_37 = arith.subf %broadcast_in_dim3A_12, %sub3A_36 : vector<1x64xf32>
    %integer_pow3A_38 = arith.mulf %sub3A_37, %sub3A_37 : vector<1x64xf32>
    %reduce_sum3A_39 = vector.shape_cast %integer_pow3A_38 : vector<1x64xf32> to vector<1x1x64xf32>
    %reduce_sum3A_40 = arith.constant dense<0.000000e+00> : vector<1xf32>
    %reduce_sum3A_41 = vector.multi_reduction <add>, %reduce_sum3A_39, %reduce_sum3A_40 [1, 2] : vector<1x1x64xf32> to vector<1xf32>
    %reduce_sum3A_42 = vector.shape_cast %reduce_sum3A_41 : vector<1xf32> to vector<1x1x1xf32>
    %reduce_sum3A_43 = vector.extract %reduce_sum3A_42[0, 0, 0] : f32 from vector<1x1x1xf32>
    %div3A_44 = arith.constant 6.300000e+01 : f32
    %div3A_45 = arith.divf %reduce_sum3A_43, %div3A_44 : f32
    %mul3A_46 = arith.mulf %div3A_35, %div3A_35 : f32
    %add3A_47 = arith.constant 1.000000e-10 : f32
    %add3A_48 = arith.addf %mul3A_46, %add3A_47 : f32
    %div3A_49 = arith.divf %div3A_45, %add3A_48 : f32
    %add3A_50 = arith.addf %div3A_28, %div3A_49 : f32
    %mul3A_51 = arith.constant 0.00999999977 : f32
    %mul3A_52 = arith.mulf %add3A_50, %mul3A_51 : f32
    %swap3A = arith.constant 0 : index
    %swap3A_53 = arith.constant 0 : index
    %swap3A_54 = memref.load %arg1[%swap3A, %swap3A_53] : memref<1x1xf32, #tpu.memory_space<smem>>
    memref.store %mul3A_52, %arg1[%swap3A, %swap3A_53] : memref<1x1xf32, #tpu.memory_space<smem>>
    return
  }
}

</mosaic_0001>

<sc_bundles>
// kernel: kernel.5.cloned.1.call-start
scs
__scs_entry_jumppad:
0x0: {  	(pc) =	sbr.rel $0x88, $3  }
0x1: {  	(tag) =	ssettag $0x0;
	lr =	simm.s32 $0x1  }
0x2: {  	[smem:$0x3F8E] =	sst lr;
	_ =	strace $0xD0000000  }
0x3: {  	_ = 	snop  }
0x4: {  	_ = 	snop  }
0x5: {  	_ = 	snop  }
0x6: {  	_ = 	snop  }
0x7: {  	_ = 	snop  }
__scs_overlays_trampoline_lowered:
0x8: {  	[smem:$0x3F9D] =	sst s0  }
0x9: {  	[smem:$0x3F9E] =	sst s1  }
0xa: {  	[smem:$0x3F9F] =	sst s2  }
0xb: {  	[smem:$0x3FA0] =	sst s3  }
0xc: {  	[smem:$0x3FA1] =	sst s4  }
0xd: {  	[smem:$0x3FA2] =	sst s5  }
0xe: {  	[smem:$0x3FA3] =	sst s6  }
0xf: {  	[smem:$0x3FA4] =	sst s7  }
0x10: {  	[smem:$0x3FA5] =	sst s8  }
0x11: {  	[smem:$0x3FA6] =	sst s9;
	s0 =	simm.s32 @!p0 $0x0  }
0x12: {  	s1 =	sld [smem:$0x3F8C];
	s0 =	simm.s32 @p0 $0x1  }
0x13: {  	[smem:$0x3FA7] =	sst s0;
	s0 =	simm.s32 @!p1 $0x0  }
0x14: {  	s2 =	sld [smem:$0x3F8B];
	s0 =	simm.s32 @p1 $0x1  }
0x15: {  	[smem:$0x3FA8] =	sst s0;
	s0 =	simm.s32 @!p2 $0x0  }
0x16: {  	s3 =	sld [smem:$0x3FDB];
	s0 =	simm.s32 @p2 $0x1  }
0x17: {  	s4 =	simm.s32 $0x1BF5;
	[smem:$0x3FAA] =	sst s0  }
0x18: {  	s0 =	sld [smem:$0x3F8D];
	_ =	swait.ge [sflag:s4], $0x0  }
0x19: {  	s7 =	sld [smem:$0x3F8E]  }
0x1a: {  	s8 =	sadd.s32 $0xFFFFE003, lr  }
0x1b: {  	s9 =	sadd.s32 $0xFFFFFEF7, lr;
	s5 =	simm.s32 $0xFFFFFFFF;
	p2 =	slt.u32 s8, $0xFFFFF086  }
0x1c: {  	p1 =	slt.u32 s9, $0xF7A;
	s5 =	simm.s32 @!p2 $0x0  }
0x1d: {  	s5 =	simm.s32 @p1 $0x1;
	p0 =	seq.s32 s7, s2  }
0x1e: {  	s7 =	smul.u32 @!p0 $0xF7A, s2;
	p2 =	seq.s32 @!p0 s5, $0x0  }
0x1f: {  	s9 =	smul.u32 $0xF7A, s1;
	s8 =	simm.s32 @!p0 $0x1BF5;
	p2 =	por !p2, p0  }
0x20: {  	[sflag:s8] =	ssyncset.s32 @!p0 $0xFFFFF086;
	s6 =	sadd.s32 @!p0 s3, s7;
	s7 =	simm.s32 @!p0 $0x108  }
0x21: {  	s3 =	sadd.s32 s3, s9;
	s6 =	sadd.s32 @!p0 $0x88, s6;
	s7 =	simm.s32 @p2 $0x1082  }
0x22: {  	[simem:s7], [sflag:s8] =	dma.local @!p0 [hbm:s6], $0xF7A  }
0x23: {  	s9 =	sor.u32 $0xD0000000, s2;
	s6 =	simm.s32 $0x108;
	_ =	swait.ge @!p0 [sflag:s8], $0x0  }
0x24: {  	s3 =	sadd.s32 $0x88, s3;
	s6 =	simm.s32 @!p1 $0x1082;
	[sflag:s4] =	ssyncset.s32 $0xFFFFF086  }
0x25: {  	[simem:s6], [sflag:s4] =	dma.local [hbm:s3], $0xF7A  }
0x26: {  	[smem:$0x3F8E] =	sst s1;
	(tag) =	ssettag s2;
	_ =	strace s9  }
0x27: {  	s1 =	sld [smem:$0x3F9E]  }
0x28: {  	s2 =	sld [smem:$0x3F9F]  }
0x29: {  	s4 =	sld [smem:$0x3FA1]  }
0x2a: {  	p0 =	seq.s32 s5, $0x0;
	s5 =	sld [smem:$0x3FA2]  }
0x2b: {  	s6 =	sld [smem:$0x3FA3]  }
0x2c: {  	s7 =	sld [smem:$0x3FA4]  }
0x2d: {  	s3 =	simm.s32 $0x108;
	s8 =	sld [smem:$0x3FA5]  }
0x2e: {  	s3 =	simm.s32 @!p0 $0x1082;
	s9 =	sld [smem:$0x3FA6]  }
0x2f: {  	lr =	sadd.s32 s0, s3;
	s0 =	sld [smem:$0x3F9D]  }
0x30: {  	s3 =	sld [smem:$0x3FA0]  }
0x31: {  	[smem:$0x3FA9] =	sst s10  }
0x32: {  	s10 =	sld [smem:$0x3FA7];
	_ =	sdelay $0x3  }
0x33: {  	p0 =	seq.s32 s10, $0x1;
	s10 =	sld [smem:$0x3FA9];
	_ =	sdelay $0x3  }
0x34: {  	[smem:$0x3FA9] =	sst s10  }
0x35: {  	s10 =	sld [smem:$0x3FA8];
	_ =	sdelay $0x3  }
0x36: {  	p1 =	seq.s32 s10, $0x1;
	s10 =	sld [smem:$0x3FA9];
	_ =	sdelay $0x3  }
0x37: {  	[smem:$0x3FA9] =	sst s10  }
0x38: {  	s10 =	sld [smem:$0x3FAA]  }
0x39: {  	_ = 	snop;
	(pc) =	sbr.ind lr, $3  }
0x3a: {  	_ = 	snop  }
0x3b: {  	_ = 	snop  }
0x3c: {  	p2 =	seq.s32 s10, $0x1;
	s10 =	sld [smem:$0x3FA9]  }
0x3d: {  	_ =	shalt  }
0x3e: {  	_ =	shalt  }
0x3f: {  	_ =	shalt  }
0x40: {  	_ =	shalt  }
0x41: {  	_ =	shalt  }
0x42: {  	_ =	shalt  }
0x43: {  	_ =	shalt  }
0x44: {  	_ =	shalt  }
0x45: {  	_ =	shalt  }
0x46: {  	_ =	shalt  }
0x47: {  	_ =	shalt  }
0x48: {  	_ =	shalt  }
0x49: {  	_ =	shalt  }
0x4a: {  	_ =	shalt  }
0x4b: {  	_ =	shalt  }
0x4c: {  	_ =	shalt  }
0x4d: {  	_ =	shalt  }
0x4e: {  	_ =	shalt  }
0x4f: {  	_ =	shalt  }
0x50: {  	_ =	shalt  }
0x51: {  	_ =	shalt  }
0x52: {  	_ =	shalt  }
0x53: {  	_ =	shalt  }
0x54: {  	_ =	shalt  }
0x55: {  	_ =	shalt  }
0x56: {  	_ =	shalt  }
0x57: {  	_ =	shalt  }
0x58: {  	_ =	shalt  }
0x59: {  	_ =	shalt  }
0x5a: {  	_ =	shalt  }
0x5b: {  	_ =	shalt  }
0x5c: {  	_ =	shalt  }
0x5d: {  	_ =	shalt  }
0x5e: {  	_ =	shalt  }
0x5f: {  	_ =	shalt  }
0x60: {  	_ =	shalt  }
0x61: {  	_ =	shalt  }
0x62: {  	_ =	shalt  }
0x63: {  	_ =	shalt  }
0x64: {  	_ =	shalt  }
0x65: {  	_ =	shalt  }
0x66: {  	_ =	shalt  }
0x67: {  	_ =	shalt  }
0x68: {  	_ =	shalt  }
0x69: {  	_ =	shalt  }
0x6a: {  	_ =	shalt  }
0x6b: {  	_ =	shalt  }
0x6c: {  	_ =	shalt  }
0x6d: {  	_ =	shalt  }
0x6e: {  	_ =	shalt  }
0x6f: {  	_ =	shalt  }
0x70: {  	_ =	shalt  }
0x71: {  	_ =	shalt  }
0x72: {  	_ =	shalt  }
0x73: {  	_ =	shalt  }
0x74: {  	_ =	shalt  }
0x75: {  	_ =	shalt  }
0x76: {  	_ =	shalt  }
0x77: {  	_ =	shalt  }
0x78: {  	_ =	shalt  }
0x79: {  	_ =	shalt  }
0x7a: {  	_ =	shalt  }
0x7b: {  	_ =	shalt  }
0x7c: {  	_ =	shalt  }
0x7d: {  	_ =	shalt  }
0x7e: {  	_ =	shalt  }
0x7f: {  	_ =	shalt  }
0x80: {  	_ =	shalt  }
0x81: {  	_ =	shalt  }
0x82: {  	_ =	shalt  }
0x83: {  	_ =	shalt  }
0x84: {  	_ =	shalt  }
0x85: {  	_ =	shalt  }
0x86: {  	_ =	shalt  }
0x87: {  	_ =	shalt  }
.Lfunc_end0:
.L_simem_size_0:
called_computation_lowered:
.L_overlay_start_0:
0x88: {  	s2 =	sld [smem:$0x3FD9]  }
0x89: {  	s3 =	sld [smem:$0x3FFE];
	_ =	sdelay $0x1  }
0x8a: {  	s1 =	srdreg.scid  }
0x8b: {  	s0 =	sand.u32 $0x1, s1  }
0x8c: {  	s16 =	sshll.u32 s0, $0xA;
	s2 =	sadd.s32 s3, s2  }
0x8d: {  	s2 =	sadd.s32 s2, s16  }
0x8e: {  	[smem:$0x3FB5] =	sst s2  }
0x8f: {  	_ = 	snop  }
0x90: {  	(tm) =	ssettm $0x1  }
0x91: {  	s17 =	sld [smem:$0x3FFB];
	_ =	sdelay $0x3  }
0x92: {  	_ =	strace s17  }
0x93: {  	s2 =	sld [smem:$0x3FFC];
	_ =	sdelay $0x3  }
0x94: {  	_ =	strace s2  }
0x95: {  	s2 =	sld [smem:$0x3FFD];
	_ =	sdelay $0x3  }
0x96: {  	_ =	strace s2  }
0x97: {  	_ =	strace $0x8FFFFFFF  }
0x98: {  	s18 =	sld [smem:$0x3FDB];
	_ =	sdelay $0x1  }
0x99: {  	s19 =	simm.s32 $_scs_section_size  }
0x9a: {  	s4 =	simm.s32 $_size__tile_overlayer_lowered;
	s5 =	simm.s32 $_tile_overlayer_lowered  }
0x9b: {  	s22 =	simm.s32 $0x1BFF;
	s21 =	sshll.u32 s5, $0x1;
	s2 =	sadd.s32 s19, s18  }
0x9c: {  	s6 =	simm.s32 $0x0;
	s20 =	sshll.u32 s4, $0x1;
	s4 =	sadd.s32 s21, s2  }
0x9d: {  	[timem:s6], [sflag:s22] =	dma.local [hbm:s4], s20  }
0x9e: {  	_ =	swait.ge [sflag:s22], s20  }
0x9f: {  	s3 =	ssub.s32 $0x0, s20;
	[sflag:s22] =	ssyncset.done $0x0  }
0xa0: {  	[sflag:s22] =	ssyncadd.s32 s3;
	_ =	sdelay $0x1  }
0xa1: {  	s23 =	simm.s32 $0x1B8B  }
0xa2: {  	_ =	swait.ge [sflag:s23], $0x1  }
0xa3: {  	[sflag:s23] =	ssyncset.done $0x0  }
0xa4: {  	s25 =	simm.s32 $0x1B8E;
	s24 =	sld [smem:$0x3FFE];
	[sflag:s23] =	ssyncadd.s32 $0xFFFFFFFF  }
0xa5: {  	s26 =	simm.s32 $execute0_lowered;
	[smem:$0x3FD2] =	sst s25  }
0xa6: {  	s4 =	sshll.u32 s26, $0x1;
	_ =	strace $0x80000046;
	[dreg:$0x1] =	wrdreg $0xFFFFFFFF  }
0xa7: {  	s28 =	simm.s32 $_size_execute0_lowered;
	s2 =	sadd.s32 s2, s4;
	[dreg:$0x0] =	wrdreg $0x0  }
0xa8: {  	s4 =	sshll.u32 s28, $0x1;
	[dreg:$0x2] =	wrdreg s2  }
0xa9: {  	[dreg:$0x3] =	wrdreg s4  }
0xaa: {  	[dreg:$0x4] =	wrdreg $0xC0  }
0xab: {  	_ =	task [dreg:s6], $0x5FFFF  }
0xac: {  	[dreg:$0x1] =	wrdreg $0xFFFFFFFF  }
0xad: {  	[dreg:$0x0] =	wrdreg $0x60  }
0xae: {  	[dreg:$0x2] =	wrdreg s24  }
0xaf: {  	[dreg:$0x3] =	wrdreg $0x9  }
0xb0: {  	_ =	task.clear_ibuf [dreg:s6], $0x4FFFF;
	_ =	strace $0x90000046  }
0xb1: {  	s29 =	simm.s32 $0x9;
	_ =	strace $0x80000048  }
0xb2: {  	_ =	swait.ge [sflag:s29], $0x1  }
0xb3: {  	[sflag:s29] =	ssyncadd.s32 $0xFFFFFFFF  }
0xb4: {  	_ =	strace $0x90000048  }
0xb5: {  	_ =	sfence  }
0xb6: {  	s30 =	sld [smem:$0x0];
	_ =	sdelay $0x2  }
0xb7: {  	s31 =	sshll.u32 s1, $0xD;
	s1 =	sshrl.u32 s1, $0x2  }
0xb8: {  	s3 =	sand.u32 $0x4000, s31;
	s1 =	sadd.s32 s1, s30  }
0xb9: {  	s0 =	sor.u32 s3, s0;
	s1 =	sshll.u32 s1, $0x11  }
0xba: {  	s0 =	sor.u32 s1, s0  }
0xbb: {  	s0 =	sadd.s32 $0x8F2B, s0  }
0xbc: {  	[sflag:s0] =	ssyncadd.remote.s32 $0x1  }
0xbd: {  	_ =	sfence.sel $0xFFFF  }
0xbe: {  	[dreg:$0x0] =	wrdreg $0xFFFFFFFF;
	(pc) =	sbr.abs _section_cstart, $3  }
0xbf: {  	[dreg:$0x1] =	wrdreg $0xFFFFFFFF  }
0xc0: {  	_ =	task.clear_ibuf [dreg:s6], $0x2FFFF;
	_ =	strace $0x9FFFFFFF  }
0xc1: {  	(tm) =	ssettm $0x7FFFFFFF  }
tec
execute0_lowered:
.L_overlay_start_1:
0x0: {  	(tag) =	ssettag $0x1  }
0x1: {  	s3 =	rddreg [dreg:$0x0]  }
0x2: {  	s0 =	rddreg [dreg:$0x1];
	s4 =	srdreg.scid  }
0x3: {  	s2 =	simm.s32 $0x0;
	s1 =	stileid.u32;
	s4 =	sand.u32 $0x1, s4  }
0x4: {  	[smem:$0x7FF] =	sst s2;
	s5 =	sshll.u32 s1, $0x9;
	s6 =	sshll.u32 s4, $0x8  }
0x5: {  	s8 =	simm.s32 $0x0;
	_ =	strace $0x80000047;
	s5 =	sor.u32 s6, s5  }
0x6: {  	s4 =	ssub.s32 $0x2, s4;
	s6 =	sshll.u32 s5, $0x4;
	s5 =	sshrl.u32 s5, $0x3  }
0x7: {  	s7 =	sshrl.u32 s4, $0x1;
	s6 =	sadd.s32 s6, s3;
	s5 =	sadd.s32 s5, s3  }
0x8: {  	s7 =	ssub.s32 s4, s7;
	s3 =	sadd.s32 $0x2A00, s6;
	s4 =	sadd.s32 $0x22A00, s5  }
0x9: {  	v0 =	vimm.f32 $0.0e+00;
	s5 =	smax.u32 s7, $0x1;
	s6 =	simm.s32 $0x1;
	s7 =	simm.s32 $0x8000  }
.LBB2_1:
0xa: {  	[tilespmem:s2], [sflag:$0x1] =	stream.linear.gather [hbm4b:s3+s2], $0x8000, $0x38;
	[tilespmem:$0x8100] =	vst v63  }
0xb: {  	_ =	swait.ge [sflag:s6], $0x8000  }
0xc: {  	[sflag:s6] =	ssyncset.done $0x0  }
0xd: {  	s10 =	simm.s32 $0x0;
	[sflag:s6] =	ssyncadd.s32 $0xFFFF8000  }
0xe: {  	v4 =	vld [tilespmem:s10+$0x80]  }
0xf: {  	v1 =	vld [tilespmem:s10+$0xB0]  }
0x10: {  	v2 =	vld [tilespmem:s10+$0xA0]  }
0x11: {  	v5 =	vld [tilespmem:s10+$0x30]  }
0x12: {  	v3 =	vld [tilespmem:s10+$0x90]  }
0x13: {  	v16 =	vimm.f32 $0.0e+00;
	v12 =	vld [tilespmem:s10+$0x0]  }
0x14: {  	v10 =	vimm.f32 $0.0e+00;
	v14 =	vimm.f32 $0.0e+00;
	v7 =	vimm.f32 $0.0e+00;
	v9 =	vld [tilespmem:s10+$0x20]  }
0x15: {  	v15 =	vimm.f32 $0.0e+00;
	v6 =	vimm.f32 $0.0e+00;
	v13 =	vimm.f32 $0.0e+00;
	v17 =	vld [tilespmem:s10+$0x10]  }
0x16: {  	v11 =	vimm.f32 $0.0e+00;
	vm0 =	vgt.f32 v1, $0.0e+00;
	vm3 =	vgt.f32 v2, $0.0e+00  }
0x17: {  	s9 =	simm.s32 $0x400;
	vm1 =	vgt.f32 v4, $0.0e+00;
	vm2 =	vgt.f32 v5, $0.0e+00;
	v8 =	vsel vm3, $0x3F800000, v0  }
.LBB2_2:
0x18: {  	s10 =	sshra.s32 s9, $0x2;
	p0 =	sne.s32 s9, $0x1FC00;
	s9 =	sadd.s32 $0x400, s9;
	vm3 =	vgt.f32 v12, $0.0e+00;
	v16 =	vadd.f32 v5, v16  }
0x19: {  	v19 =	vsel vm2, $0x3F800000, v0;
	vm2 =	vgt.f32 v3, $0.0e+00;
	v18 =	vld [tilespmem:s10+$0x80];
	vm4 =	vgt.f32 v9, $0.0e+00  }
0x1a: {  	v21 =	vsel vm2, $0x3F800000, v0;
	v20 =	vld [tilespmem:s10+$0xB0];
	v5 =	vadd.f32 v17, v10;
	v10 =	vsel vm4, $0x3F800000, v0  }
0x1b: {  	v14 =	vadd.f32 v12, v14;
	v23 =	vsel vm1, $0x3F800000, v0;
	v22 =	vld [tilespmem:s10+$0xA0];
	v7 =	vadd.f32 v10, v7  }
0x1c: {  	v15 =	vadd.f32 v9, v15;
	vm1 =	vgt.f32 v17, $0.0e+00;
	v10 =	vadd.f32 v3, v5;
	v3 =	vld [tilespmem:s10+$0x90]  }
0x1d: {  	v6 =	vadd.f32 v19, v6;
	v24 =	vsel vm1, $0x3F800000, v0;
	v5 =	vld [tilespmem:s10+$0x30];
	v7 =	vadd.f32 v8, v7  }
.Ltmp0:
0x1e: {  	v14 =	vadd.f32 v4, v14;
	v17 =	vsel vm0, $0x3F800000, v0;
	v8 =	vsel vm3, $0x3F800000, v0;
	v12 =	vld [tilespmem:s10+$0x0];
	v4 =	vmovc v18;
	(pc) =	sbr.rel @p0 .LBB2_2-.Ltmp0, $4  }
0x1f: {  	v6 =	vadd.f32 v17, v6;
	v8 =	vadd.f32 v8, v13;
	v9 =	vld [tilespmem:s10+$0x20];
	vm0 =	vgt.f32 v20, $0.0e+00  }
0x20: {  	v16 =	vadd.f32 v1, v16;
	v11 =	vadd.f32 v24, v11;
	vm1 =	vgt.f32 v4, $0.0e+00;
	v1 =	vmovc v20;
	v17 =	vld [tilespmem:s10+$0x10]  }
0x21: {  	v15 =	vadd.f32 v2, v15;
	vm3 =	vgt.f32 v22, $0.0e+00;
	v13 =	vadd.f32 v23, v8;
	v2 =	vmovc v22  }
0x22: {  	v11 =	vadd.f32 v21, v11;
	v8 =	vsel vm3, $0x3F800000, v0;
	vm2 =	vgt.f32 v5, $0.0e+00  }
0x23: {  	vm3 =	vgt.f32 v12, $0.0e+00;
	v54 =	vadd.f32 v12, v14;
	vm14 =	vgt.f32 v3, $0.0e+00  }
0x24: {  	v5 =	vadd.f32 v5, v16;
	v55 =	vsel vm3, $0x3F800000, v0;
	v59 =	vadd.f32 v9, v15  }
0x25: {  	v18 =	vsel vm1, $0x3F800000, v0;
	v13 =	vadd.f32 v55, v13;
	v4 =	vadd.f32 v4, v54  }
0x26: {  	vm4 =	vgt.f32 v9, $0.0e+00;
	v10 =	vadd.f32 v17, v10;
	v1 =	vadd.f32 v1, v5  }
0x27: {  	vm15 =	vgt.f32 v17, $0.0e+00;
	v57 =	vsel vm4, $0x3F800000, v0;
	v2 =	vadd.f32 v2, v59;
	[tilespmem:$0x8000] =	vst v4  }
0x28: {  	v56 =	vsel vm15, $0x3F800000, v0;
	v60 =	vadd.f32 v57, v7;
	v3 =	vadd.f32 v3, v10;
	[tilespmem:$0x8030] =	vst v1  }
0x29: {  	v62 =	vsel vm2, $0x3F800000, v0;
	v11 =	vadd.f32 v56, v11;
	v13 =	vadd.f32 v18, v13;
	[tilespmem:$0x8020] =	vst v2  }
0x2a: {  	v58 =	vsel vm14, $0x3F800000, v0;
	v4 =	vadd.f32 v8, v60;
	[tilespmem:$0x8010] =	vst v3;
	v3 =	vadd.f32 v62, v6  }
0x2b: {  	v63 =	vsel vm0, $0x3F800000, v0;
	v61 =	vadd.f32 v58, v11;
	[tilespmem:$0x8080] =	vst v13  }
0x2c: {  	s8 =	sadd.s32 $0x1, s8;
	[tilespmem:$0x80A0] =	vst v4;
	v2 =	vadd.f32 v63, v3  }
0x2d: {  	p0 =	sne.s32 s8, s5;
	[tilespmem:$0x8090] =	vst v61  }
.Ltmp1:
0x2e: {  	[tilespmem:$0x80B0] =	vst v2;
	(pc) =	sbr.rel @p0 .LBB2_1-.Ltmp1, $4  }
0x2f: {  	[hbm4b:s4+s2] =	stream.linear.scatter [tilespmem:s7], [sflag:$0x1], $0x100, $0x38;
	[tilespmem:$0x8100] =	vst v63  }
0x30: {  	_ =	swait.ge [sflag:s6], $0x100  }
0x31: {  	[sflag:s6] =	ssyncset.done $0x0  }
0x32: {  	[sflag:s6] =	ssyncadd.s32 $0xFFFFFF00  }
0x33: {  	_ =	sfence.sel $0x180000  }
0x34: {  	[bflag:$0x0] =	sbarrier.arrive $0xFFFF  }
0x35: {  	p0 =	sne.s32 s1, $0x0;
	_ =	strace $0x90000047  }
0x36: {  	s0 =	sadd.s32 @!p0 $0x100000, s0;
	[bflag:$0x2] =	sbarrier.arrive $0xFFFF  }
0x37: {  	[sflag:s0] =	ssyncadd.tile.s32 @!p0 $0x1;
	_ =	shalt  }
.Lfunc_end2:
_tile_overlayer_lowered:
.L_overlay_start_2:
0x38: {  	(tag) =	ssettag $0x2  }
0x39: {  	s0 =	rddreg [dreg:$0x0];
	s2 =	stileid.u32  }
0x3a: {  	s1 =	rddreg [dreg:$0x1];
	p0 =	sne.s32 s2, $0x0  }
0x3b: {  	s3 =	rddreg [dreg:$0x2];
	[bflag:$0x3] =	sbarrier.arrive $0xFFFF;
	s2 =	simm.s32 @!p0 $0x1C01  }
0x3c: {  	[timem:s3], [sflag:s2] =	dma.local @!p0 [hbm:s0], s1  }
0x3d: {  	s0 =	simm.s32 @!p0 $0x1  }
0x3e: {  	_ =	swait.ge @!p0 [sflag:s0], s1  }
0x3f: {  	s1 =	ssub.s32 @!p0 $0x0, s1;
	[sflag:s0] =	ssyncset.done @!p0 $0x0  }
0x40: {  	[sflag:s0] =	ssyncadd.s32 @!p0 s1  }
0x41: {  	[bflag:$0x3] =	sbarrier.arrive $0xFFFF  }
0x42: {  	_ =	shalt  }

</sc_bundles>
